<compile_context>
chip_gen: v7x
topology: tpu7x:2x2x1
jax: 0.10.2.dev20260603
libtpu: 0.0.44.dev20260713+nightly
codegen_flags: <defaults>
</compile_context>

<pallas_src>
import dataclasses
import functools

import jax
import jax.numpy as jnp
from jax import lax
from jax.experimental import pallas as pl
from jax.experimental.pallas import tpu as pltpu
from jax.experimental.pallas import tpu_sc as plsc

N = 10000
E = 320000
D = 128

NC = 2
NS = 16
NW = NC * NS
CH = 128
NCH = 80
EPW = NCH * CH
E_PAD = NW * EPW
ACC_ROWS = 10240
RPS = ACC_ROWS // NS
ZR = 64
DEG_W = 16

BLK = 2000



_MESH = functools.partial(
    plsc.VectorSubcoreMesh, core_axis_name="c", subcore_axis_name="s"
)


def _sc_deg(dst3):

    cp = pltpu.CompilerParams()
    if "needs_layout_passes" in pltpu.CompilerParams.__dataclass_fields__:
        cp = dataclasses.replace(cp, needs_layout_passes=False)

    @functools.partial(
        pl.kernel,
        out_type=jax.ShapeDtypeStruct((NW, ACC_ROWS), jnp.float32),
        mesh=_MESH(),
        compiler_params=cp,
        scratch_types=[
            pltpu.VMEM((NCH, CH), jnp.int32),
            pltpu.VMEM((ACC_ROWS,), jnp.float32),
        ],
    )
    def deg_kernel(dst_hbm, out_hbm, dst_all, hist_v):
        c = lax.axis_index("c")
        s = lax.axis_index("s")
        wid = c * NS + s

        pltpu.sync_copy(dst_hbm.at[wid], dst_all)

        @pl.loop(0, ACC_ROWS // 16)
        def _(i):
            hist_v[pl.ds(i * 16, 16)] = jnp.zeros((16,), jnp.float32)

        ones16 = jnp.ones((16,), jnp.float32)

        @pl.loop(0, NCH)
        def _(g):
            for j in range(CH // 16):
                ix = dst_all[g, pl.ds(j * 16, 16)]
                plsc.addupdate_scatter(hist_v, [ix], ones16)

        pltpu.sync_copy(hist_v, out_hbm.at[wid])

    return deg_kernel(dst3)


def _sc_agg(hp, src3, dst3):

    @functools.partial(
        pl.kernel,
        out_type=jax.ShapeDtypeStruct((NC, N, D), jnp.float32),
        mesh=_MESH(),
        scratch_types=[
            pltpu.VMEM((NCH, CH), jnp.int32),
            pltpu.VMEM((NCH, CH), jnp.int32),
            pltpu.VMEM((CH, D), jnp.float32),
            pltpu.VMEM((ZR, D), jnp.float32),
            pltpu.VMEM_SHARED((ACC_ROWS, D), jnp.float32),
            pltpu.SemaphoreType.DMA,
            pltpu.SemaphoreType.DMA,
        ],
    )
    def agg_kernel(hp_hbm, src_hbm, dst_hbm, out_hbm,
                   src_all, dst_all, rows_v, zero_v, acc_sh, sem_g, sem_s):
        c = lax.axis_index("c")
        s = lax.axis_index("s")
        wid = c * NS + s

        pltpu.sync_copy(src_hbm.at[wid], src_all)
        pltpu.sync_copy(dst_hbm.at[wid], dst_all)

        @pl.loop(0, ZR)
        def _(i):
            for j in range(D // 16):
                zero_v[i, pl.ds(j * 16, 16)] = jnp.zeros((16,), jnp.float32)

        @pl.loop(0, RPS // ZR)
        def _(k):
            pltpu.sync_copy(zero_v, acc_sh.at[pl.ds(s * RPS + k * ZR, ZR)])

        plsc.subcore_barrier()

        @pl.loop(0, NCH)
        def _(g):
            pltpu.async_copy(
                hp_hbm.at[src_all.at[g]], rows_v, sem_g).wait()
            pltpu.async_copy(
                rows_v, acc_sh.at[dst_all.at[g]], sem_s, add=True).wait()

        plsc.subcore_barrier()

        @pl.when(s < NS - 1)
        def _():
            pltpu.sync_copy(
                acc_sh.at[pl.ds(s * RPS, RPS)],
                out_hbm.at[c, pl.ds(s * RPS, RPS)],
            )

        @pl.when(s == NS - 1)
        def _():
            pltpu.sync_copy(
                acc_sh.at[pl.ds((NS - 1) * RPS, N - (NS - 1) * RPS)],
                out_hbm.at[c, pl.ds((NS - 1) * RPS, N - (NS - 1) * RPS)],
            )

    return agg_kernel(hp, src3, dst3)




def _tc_matmul(x, W):
    def body(x_ref, w_ref, o_ref):
        o_ref[...] = jnp.dot(x_ref[...], w_ref[...],
                             preferred_element_type=jnp.float32)

    return pl.pallas_call(
        body,
        grid=(N // BLK,),
        in_specs=[
            pl.BlockSpec((BLK, D), lambda i: (i, 0)),
            pl.BlockSpec((D, D), lambda i: (0, 0)),
        ],
        out_specs=pl.BlockSpec((BLK, D), lambda i: (i, 0)),
        out_shape=jax.ShapeDtypeStruct((N, D), jnp.float32),
    )(x, W)


def _tc_prep(dinv16, xW1):

    def body(dv_ref, xw_ref, dmat_ref, hp_ref):
        dmat = jnp.broadcast_to(dv_ref[:, 0:1], (BLK, D))
        dmat_ref[...] = dmat
        hp_ref[...] = xw_ref[...] * dmat

    return pl.pallas_call(
        body,
        grid=(N // BLK,),
        in_specs=[
            pl.BlockSpec((BLK, DEG_W), lambda i: (i, 0)),
            pl.BlockSpec((BLK, D), lambda i: (i, 0)),
        ],
        out_specs=[
            pl.BlockSpec((BLK, D), lambda i: (i, 0)),
            pl.BlockSpec((BLK, D), lambda i: (i, 0)),
        ],
        out_shape=[
            jax.ShapeDtypeStruct((N, D), jnp.float32),
            jax.ShapeDtypeStruct((N, D), jnp.float32),
        ],
    )(dinv16, xW1)


def _tc_mid(a, hp, dmat, b2d, W):

    def body(a_ref, hp_ref, dm_ref, b_ref, w_ref, o_ref):
        agg = a_ref[0] + a_ref[1]
        dm = dm_ref[...]
        z = dm * (agg + hp_ref[...]) + b_ref[0:1, :]
        z = jnp.maximum(z, 0.0)
        o_ref[...] = jnp.dot(z, w_ref[...],
                             preferred_element_type=jnp.float32) * dm

    return pl.pallas_call(
        body,
        grid=(N // BLK,),
        in_specs=[
            pl.BlockSpec((NC, BLK, D), lambda i: (0, i, 0)),
            pl.BlockSpec((BLK, D), lambda i: (i, 0)),
            pl.BlockSpec((BLK, D), lambda i: (i, 0)),
            pl.BlockSpec((8, D), lambda i: (0, 0)),
            pl.BlockSpec((D, D), lambda i: (0, 0)),
        ],
        out_specs=pl.BlockSpec((BLK, D), lambda i: (i, 0)),
        out_shape=jax.ShapeDtypeStruct((N, D), jnp.float32),
    )(a, hp, dmat, b2d, W)


def _tc_final(a, hp, dmat, b2d, Wlp, blp):

    def body(a_ref, hp_ref, dm_ref, b_ref, w_ref, bl_ref, o_ref):
        agg = a_ref[0] + a_ref[1]
        z = dm_ref[...] * (agg + hp_ref[...]) + b_ref[0:1, :]
        z = jnp.maximum(z, 0.0)
        y = jnp.dot(z, w_ref[...], preferred_element_type=jnp.float32) \
            + bl_ref[0:1, :]
        o_ref[...] = jax.nn.sigmoid(y)

    return pl.pallas_call(
        body,
        grid=(N // BLK,),
        in_specs=[
            pl.BlockSpec((NC, BLK, D), lambda i: (0, i, 0)),
            pl.BlockSpec((BLK, D), lambda i: (i, 0)),
            pl.BlockSpec((BLK, D), lambda i: (i, 0)),
            pl.BlockSpec((8, D), lambda i: (0, 0)),
            pl.BlockSpec((D, D), lambda i: (0, 0)),
            pl.BlockSpec((8, D), lambda i: (0, 0)),
        ],
        out_specs=pl.BlockSpec((BLK, D), lambda i: (i, 0)),
        out_shape=jax.ShapeDtypeStruct((N, D), jnp.float32),
    )(a, hp, dmat, b2d, Wlp, blp)




def kernel(x, edge_index, W1, b1, W2, b2, Wl, bl):
    ei = edge_index.astype(jnp.int32)
    pad = E_PAD - E
    src = jnp.concatenate([ei[0], jnp.arange(pad, dtype=jnp.int32) % N])
    dst = jnp.concatenate(
        [ei[1], N + (jnp.arange(pad, dtype=jnp.int32) % (ACC_ROWS - N))])
    src = src.reshape(NW, NCH, CH)
    dst = dst.reshape(NW, NCH, CH)

    degp = _sc_deg(dst)
    xW1 = _tc_matmul(x, W1)
    deg = jnp.sum(degp, axis=0)[:N]
    dinv16 = jnp.broadcast_to(
        lax.rsqrt(deg + 1.0)[:, None], (N, DEG_W))
    dmat, hp1 = _tc_prep(dinv16, xW1)

    a1 = _sc_agg(hp1, src, dst)
    b1_2d = jnp.broadcast_to(b1.reshape(1, D), (8, D))
    hp2 = _tc_mid(a1, hp1, dmat, b1_2d, W2)

    a2 = _sc_agg(hp2, src, dst)
    b2_2d = jnp.broadcast_to(b2.reshape(1, D), (8, D))
    Wlp = jnp.pad(Wl, ((0, 0), (0, D - Wl.shape[1])))
    bl_2d = jnp.broadcast_to(bl.reshape(1, 1), (8, D))
    wide = _tc_final(a2, hp2, dmat, b2_2d, Wlp, bl_2d)
    return wide[:, :1]

# --- scband reference (transcript-rebuilt; emitter-appended) ---
"""Pipeline reference for scband-supply-chain-gnn-7069516169663 (READ-ONLY COPY).

The authoritative reference and input builder live on the scoring server;
editing this copy changes nothing except your own understanding.
"""

import jax, jax.numpy as jnp
import numpy as np

N_NODES = 10000
N_EDGES = 320000
D_IN = 128
D_HID = 128


def _gcn_conv(x, edge_index, W, b):
    N = x.shape[0]
    loop = jnp.arange(N, dtype=edge_index.dtype)
    src = jnp.concatenate([edge_index[0], loop])
    dst = jnp.concatenate([edge_index[1], loop])
    # linear transform first (as in PyG GCNConv)
    h = x @ W
    # symmetric normalization with self-loops
    ones = jnp.ones(src.shape[0], dtype=x.dtype)
    deg = jnp.zeros((N,), dtype=x.dtype).at[dst].add(ones)
    dinv = jnp.where(deg > 0, deg ** -0.5, 0.0)
    norm = dinv[src] * dinv[dst]
    msg = h[src] * norm[:, None]
    out = jnp.zeros((N, h.shape[1]), dtype=x.dtype).at[dst].add(msg)
    return out + b


def setup_inputs(seed: int = 0) -> dict:
    key = jax.random.key(seed)
    k_x, k_e, k_w1, k_w2, k_wl = jax.random.split(key, 5)
    x = jax.random.normal(k_x, (N_NODES, D_IN), dtype=jnp.float32)
    edge_index = jax.random.randint(k_e, (2, N_EDGES), 0, N_NODES, dtype=jnp.int64)
    s1 = (1.0 / np.sqrt(D_IN)).astype(np.float32) if isinstance(np.sqrt(D_IN), np.ndarray) else np.float32(1.0 / np.sqrt(D_IN))
    W1 = jax.random.normal(k_w1, (D_IN, D_HID), dtype=jnp.float32) * s1
    b1 = jnp.zeros((D_HID,), dtype=jnp.float32)
    s2 = np.float32(1.0 / np.sqrt(D_HID))
    W2 = jax.random.normal(k_w2, (D_HID, D_HID), dtype=jnp.float32) * s2
    b2 = jnp.zeros((D_HID,), dtype=jnp.float32)
    Wl = jax.random.normal(k_wl, (D_HID, 1), dtype=jnp.float32) * s2
    bl = jnp.zeros((1,), dtype=jnp.float32)
    return {"x": x, "edge_index": edge_index, "W1": W1, "b1": b1, "W2": W2, "b2": b2, "Wl": Wl, "bl": bl}


def reference(x, edge_index, W1, b1, W2, b2, Wl, bl):
    h = _gcn_conv(x, edge_index, W1, b1)
    h = jax.nn.relu(h)
    # dropout p=0.5 is identity in eval mode
    h = _gcn_conv(h, edge_index, W2, b2)
    h = jax.nn.relu(h)
    out = jax.nn.sigmoid(h @ Wl + bl)
    return out

if __name__ == "__main__":
    import jax
    _d = setup_inputs()
    print(jax.jit(kernel)(*tuple(_d.values())))

</pallas_src>

<mosaic_0001>
#map = affine_map<(d0, d1) -> (0, 0)>
#map1 = affine_map<(d0, d1) -> (0, 0, 0)>
module attributes {stable_mosaic.version = 14 : i64} {
  func.func @agg_kernel(%arg0: i32, %arg1: i32, %arg2: memref<10000x128xf32, #tpu.memory_space<hbm>>, %arg3: memref<32x80x128xi32, #tpu.memory_space<hbm>>, %arg4: memref<32x80x128xi32, #tpu.memory_space<hbm>>, %arg5: memref<2x10000x128xf32, #tpu.memory_space<hbm>>, %arg6: memref<80x128xi32, #tpu.memory_space<vmem>>, %arg7: memref<80x128xi32, #tpu.memory_space<vmem>>, %arg8: memref<128x128xf32, #tpu.memory_space<vmem>>, %arg9: memref<64x128xf32, #tpu.memory_space<vmem>>, %arg10: memref<10240x128xf32, #tpu.memory_space<vmem_shared>>, %arg11: memref<!tpu.dma_semaphore, #tpu.memory_space<semaphore_mem>>, %arg12: memref<!tpu.dma_semaphore, #tpu.memory_space<semaphore_mem>>) attributes {dimension_semantics = [#tpu.dimension_semantics<core_parallel>, #tpu.dimension_semantics<subcore_parallel>], iteration_bounds = array<i64: 2, 16>, scalar_prefetch = 0 : i64, scratch_operands = 7 : i64, tpu.core_type = #tpu.core_type<sc_vector_subcore>, window_params = [{transform_indices = #map}, {transform_indices = #map1}, {transform_indices = #map1}, {transform_indices = #map1}]} {
    %mul3A = arith.constant 16 : i32
    %mul3A_0 = arith.muli %arg0, %mul3A : i32
    %add3A = arith.addi %mul3A_0, %arg1 : i32
    "tpu.region"() ({
      %run_scoped3A = tpu.sem_alloc : memref<!tpu.dma_semaphore, #tpu.memory_space<semaphore_mem>>
      %dma_start3A = arith.constant 0 : i32
      %dma_start3A_22 = arith.constant 0 : i32
      %dma_start3A_23 = tpu.memref_slice %arg3[%add3A, %dma_start3A, %dma_start3A_22] : memref<32x80x128xi32, #tpu.memory_space<hbm>> -> memref<1x80x128xi32, #tpu.memory_space<hbm>>
      %dma_start3A_24 = tpu.memref_squeeze %dma_start3A_23 : memref<1x80x128xi32, #tpu.memory_space<hbm>> -> memref<80x128xi32, #tpu.memory_space<hbm>>
      %dma_start3A_25 = arith.constant 0 : i32
      %dma_start3A_26 = arith.constant 0 : i32
      %dma_start3A_27 = tpu.memref_slice %arg3[%add3A, %dma_start3A_25, %dma_start3A_26] : memref<32x80x128xi32, #tpu.memory_space<hbm>> -> memref<1x80x128xi32, #tpu.memory_space<hbm>>
      %dma_start3A_28 = tpu.memref_squeeze %dma_start3A_27 : memref<1x80x128xi32, #tpu.memory_space<hbm>> -> memref<80x128xi32, #tpu.memory_space<hbm>>
      tpu.enqueue_dma source(%dma_start3A_28 : memref<80x128xi32, #tpu.memory_space<hbm>>) target(%arg6 : memref<80x128xi32, #tpu.memory_space<vmem>>) target_semaphore(%run_scoped3A : memref<!tpu.dma_semaphore, #tpu.memory_space<semaphore_mem>>)
      %dma_wait3A = arith.constant 0 : i32
      %dma_wait3A_29 = arith.constant 0 : i32
      %dma_wait3A_30 = tpu.memref_slice %arg3[%add3A, %dma_wait3A, %dma_wait3A_29] : memref<32x80x128xi32, #tpu.memory_space<hbm>> -> memref<1x80x128xi32, #tpu.memory_space<hbm>>
      %dma_wait3A_31 = tpu.memref_squeeze %dma_wait3A_30 : memref<1x80x128xi32, #tpu.memory_space<hbm>> -> memref<80x128xi32, #tpu.memory_space<hbm>>
      %dma_wait3A_32 = arith.constant 0 : i32
      %dma_wait3A_33 = arith.constant 0 : i32
      %dma_wait3A_34 = tpu.memref_slice %arg3[%add3A, %dma_wait3A_32, %dma_wait3A_33] : memref<32x80x128xi32, #tpu.memory_space<hbm>> -> memref<1x80x128xi32, #tpu.memory_space<hbm>>
      %dma_wait3A_35 = tpu.memref_squeeze %dma_wait3A_34 : memref<1x80x128xi32, #tpu.memory_space<hbm>> -> memref<80x128xi32, #tpu.memory_space<hbm>>
      tpu.wait_dma2 semaphore(%run_scoped3A : memref<!tpu.dma_semaphore, #tpu.memory_space<semaphore_mem>>) src(%dma_wait3A_35 : memref<80x128xi32, #tpu.memory_space<hbm>>) dst(%arg6 : memref<80x128xi32, #tpu.memory_space<vmem>>)
      tpu.yield
    }) : () -> ()
    "tpu.region"() ({
      %run_scoped3A = tpu.sem_alloc : memref<!tpu.dma_semaphore, #tpu.memory_space<semaphore_mem>>
      %dma_start3A = arith.constant 0 : i32
      %dma_start3A_22 = arith.constant 0 : i32
      %dma_start3A_23 = tpu.memref_slice %arg4[%add3A, %dma_start3A, %dma_start3A_22] : memref<32x80x128xi32, #tpu.memory_space<hbm>> -> memref<1x80x128xi32, #tpu.memory_space<hbm>>
      %dma_start3A_24 = tpu.memref_squeeze %dma_start3A_23 : memref<1x80x128xi32, #tpu.memory_space<hbm>> -> memref<80x128xi32, #tpu.memory_space<hbm>>
      %dma_start3A_25 = arith.constant 0 : i32
      %dma_start3A_26 = arith.constant 0 : i32
      %dma_start3A_27 = tpu.memref_slice %arg4[%add3A, %dma_start3A_25, %dma_start3A_26] : memref<32x80x128xi32, #tpu.memory_space<hbm>> -> memref<1x80x128xi32, #tpu.memory_space<hbm>>
      %dma_start3A_28 = tpu.memref_squeeze %dma_start3A_27 : memref<1x80x128xi32, #tpu.memory_space<hbm>> -> memref<80x128xi32, #tpu.memory_space<hbm>>
      tpu.enqueue_dma source(%dma_start3A_28 : memref<80x128xi32, #tpu.memory_space<hbm>>) target(%arg7 : memref<80x128xi32, #tpu.memory_space<vmem>>) target_semaphore(%run_scoped3A : memref<!tpu.dma_semaphore, #tpu.memory_space<semaphore_mem>>)
      %dma_wait3A = arith.constant 0 : i32
      %dma_wait3A_29 = arith.constant 0 : i32
      %dma_wait3A_30 = tpu.memref_slice %arg4[%add3A, %dma_wait3A, %dma_wait3A_29] : memref<32x80x128xi32, #tpu.memory_space<hbm>> -> memref<1x80x128xi32, #tpu.memory_space<hbm>>
      %dma_wait3A_31 = tpu.memref_squeeze %dma_wait3A_30 : memref<1x80x128xi32, #tpu.memory_space<hbm>> -> memref<80x128xi32, #tpu.memory_space<hbm>>
      %dma_wait3A_32 = arith.constant 0 : i32
      %dma_wait3A_33 = arith.constant 0 : i32
      %dma_wait3A_34 = tpu.memref_slice %arg4[%add3A, %dma_wait3A_32, %dma_wait3A_33] : memref<32x80x128xi32, #tpu.memory_space<hbm>> -> memref<1x80x128xi32, #tpu.memory_space<hbm>>
      %dma_wait3A_35 = tpu.memref_squeeze %dma_wait3A_34 : memref<1x80x128xi32, #tpu.memory_space<hbm>> -> memref<80x128xi32, #tpu.memory_space<hbm>>
      tpu.wait_dma2 semaphore(%run_scoped3A : memref<!tpu.dma_semaphore, #tpu.memory_space<semaphore_mem>>) src(%dma_wait3A_35 : memref<80x128xi32, #tpu.memory_space<hbm>>) dst(%arg7 : memref<80x128xi32, #tpu.memory_space<vmem>>)
      tpu.yield
    }) : () -> ()
    %scan3A = arith.constant 0 : i32
    %scan3A_1 = arith.constant 64 : i32
    %scan3A_2 = arith.addi %scan3A, %scan3A_1 : i32
    %scan3A_3 = arith.constant 1 : i32
    scf.for %scan3A_22 = %scan3A to %scan3A_2 step %scan3A_3  : i32 {
      %mul3A_23 = arith.constant 1 : i32
      %mul3A_24 = arith.muli %scan3A_22, %mul3A_23 : i32
      %add3A_25 = arith.constant 0 : i32
      %add3A_26 = arith.addi %add3A_25, %mul3A_24 : i32
      %broadcast_in_dim3A = arith.constant 0.000000e+00 : f32
      %broadcast_in_dim3A_27 = vector.broadcast %broadcast_in_dim3A : f32 to vector<16xf32>
      %swap3A = arith.index_cast %add3A_26 : i32 to index
      %swap3A_28 = arith.constant 0 : index
      %swap3A_29 = tpu.vector_load %arg9[%swap3A, %swap3A_28] {strides = array<i32>} : memref<64x128xf32, #tpu.memory_space<vmem>>, vector<1x16xf32>,
      %swap3A_30 = vector.shape_cast %swap3A_29 : vector<1x16xf32> to vector<16xf32>
      %swap3A_31 = vector.shape_cast %broadcast_in_dim3A_27 : vector<16xf32> to vector<1x16xf32>
      tpu.vector_store %arg9[%swap3A, %swap3A_28], %swap3A_31 {strides = array<i32>} : memref<64x128xf32, #tpu.memory_space<vmem>>, vector<1x16xf32>,
      %broadcast_in_dim3A_32 = arith.constant 0.000000e+00 : f32
      %broadcast_in_dim3A_33 = vector.broadcast %broadcast_in_dim3A_32 : f32 to vector<16xf32>
      %swap3A_34 = arith.index_cast %add3A_26 : i32 to index
      %swap3A_35 = arith.constant 16 : index
      %swap3A_36 = tpu.vector_load %arg9[%swap3A_34, %swap3A_35] {strides = array<i32>} : memref<64x128xf32, #tpu.memory_space<vmem>>, vector<1x16xf32>,
      %swap3A_37 = vector.shape_cast %swap3A_36 : vector<1x16xf32> to vector<16xf32>
      %swap3A_38 = vector.shape_cast %broadcast_in_dim3A_33 : vector<16xf32> to vector<1x16xf32>
      tpu.vector_store %arg9[%swap3A_34, %swap3A_35], %swap3A_38 {strides = array<i32>} : memref<64x128xf32, #tpu.memory_space<vmem>>, vector<1x16xf32>,
      %broadcast_in_dim3A_39 = arith.constant 0.000000e+00 : f32
      %broadcast_in_dim3A_40 = vector.broadcast %broadcast_in_dim3A_39 : f32 to vector<16xf32>
      %swap3A_41 = arith.index_cast %add3A_26 : i32 to index
      %swap3A_42 = arith.constant 32 : index
      %swap3A_43 = tpu.vector_load %arg9[%swap3A_41, %swap3A_42] {strides = array<i32>} : memref<64x128xf32, #tpu.memory_space<vmem>>, vector<1x16xf32>,
      %swap3A_44 = vector.shape_cast %swap3A_43 : vector<1x16xf32> to vector<16xf32>
      %swap3A_45 = vector.shape_cast %broadcast_in_dim3A_40 : vector<16xf32> to vector<1x16xf32>
      tpu.vector_store %arg9[%swap3A_41, %swap3A_42], %swap3A_45 {strides = array<i32>} : memref<64x128xf32, #tpu.memory_space<vmem>>, vector<1x16xf32>,
      %broadcast_in_dim3A_46 = arith.constant 0.000000e+00 : f32
      %broadcast_in_dim3A_47 = vector.broadcast %broadcast_in_dim3A_46 : f32 to vector<16xf32>
      %swap3A_48 = arith.index_cast %add3A_26 : i32 to index
      %swap3A_49 = arith.constant 48 : index
      %swap3A_50 = tpu.vector_load %arg9[%swap3A_48, %swap3A_49] {strides = array<i32>} : memref<64x128xf32, #tpu.memory_space<vmem>>, vector<1x16xf32>,
      %swap3A_51 = vector.shape_cast %swap3A_50 : vector<1x16xf32> to vector<16xf32>
      %swap3A_52 = vector.shape_cast %broadcast_in_dim3A_47 : vector<16xf32> to vector<1x16xf32>
      tpu.vector_store %arg9[%swap3A_48, %swap3A_49], %swap3A_52 {strides = array<i32>} : memref<64x128xf32, #tpu.memory_space<vmem>>, vector<1x16xf32>,
      %broadcast_in_dim3A_53 = arith.constant 0.000000e+00 : f32
      %broadcast_in_dim3A_54 = vector.broadcast %broadcast_in_dim3A_53 : f32 to vector<16xf32>
      %swap3A_55 = arith.index_cast %add3A_26 : i32 to index
      %swap3A_56 = arith.constant 64 : index
      %swap3A_57 = tpu.vector_load %arg9[%swap3A_55, %swap3A_56] {strides = array<i32>} : memref<64x128xf32, #tpu.memory_space<vmem>>, vector<1x16xf32>,
      %swap3A_58 = vector.shape_cast %swap3A_57 : vector<1x16xf32> to vector<16xf32>
      %swap3A_59 = vector.shape_cast %broadcast_in_dim3A_54 : vector<16xf32> to vector<1x16xf32>
      tpu.vector_store %arg9[%swap3A_55, %swap3A_56], %swap3A_59 {strides = array<i32>} : memref<64x128xf32, #tpu.memory_space<vmem>>, vector<1x16xf32>,
      %broadcast_in_dim3A_60 = arith.constant 0.000000e+00 : f32
      %broadcast_in_dim3A_61 = vector.broadcast %broadcast_in_dim3A_60 : f32 to vector<16xf32>
      %swap3A_62 = arith.index_cast %add3A_26 : i32 to index
      %swap3A_63 = arith.constant 80 : index
      %swap3A_64 = tpu.vector_load %arg9[%swap3A_62, %swap3A_63] {strides = array<i32>} : memref<64x128xf32, #tpu.memory_space<vmem>>, vector<1x16xf32>,
      %swap3A_65 = vector.shape_cast %swap3A_64 : vector<1x16xf32> to vector<16xf32>
      %swap3A_66 = vector.shape_cast %broadcast_in_dim3A_61 : vector<16xf32> to vector<1x16xf32>
      tpu.vector_store %arg9[%swap3A_62, %swap3A_63], %swap3A_66 {strides = array<i32>} : memref<64x128xf32, #tpu.memory_space<vmem>>, vector<1x16xf32>,
      %broadcast_in_dim3A_67 = arith.constant 0.000000e+00 : f32
      %broadcast_in_dim3A_68 = vector.broadcast %broadcast_in_dim3A_67 : f32 to vector<16xf32>
      %swap3A_69 = arith.index_cast %add3A_26 : i32 to index
      %swap3A_70 = arith.constant 96 : index
      %swap3A_71 = tpu.vector_load %arg9[%swap3A_69, %swap3A_70] {strides = array<i32>} : memref<64x128xf32, #tpu.memory_space<vmem>>, vector<1x16xf32>,
      %swap3A_72 = vector.shape_cast %swap3A_71 : vector<1x16xf32> to vector<16xf32>
      %swap3A_73 = vector.shape_cast %broadcast_in_dim3A_68 : vector<16xf32> to vector<1x16xf32>
      tpu.vector_store %arg9[%swap3A_69, %swap3A_70], %swap3A_73 {strides = array<i32>} : memref<64x128xf32, #tpu.memory_space<vmem>>, vector<1x16xf32>,
      %broadcast_in_dim3A_74 = arith.constant 0.000000e+00 : f32
      %broadcast_in_dim3A_75 = vector.broadcast %broadcast_in_dim3A_74 : f32 to vector<16xf32>
      %swap3A_76 = arith.index_cast %add3A_26 : i32 to index
      %swap3A_77 = arith.constant 112 : index
      %swap3A_78 = tpu.vector_load %arg9[%swap3A_76, %swap3A_77] {strides = array<i32>} : memref<64x128xf32, #tpu.memory_space<vmem>>, vector<1x16xf32>,
      %swap3A_79 = vector.shape_cast %swap3A_78 : vector<1x16xf32> to vector<16xf32>
      %swap3A_80 = vector.shape_cast %broadcast_in_dim3A_75 : vector<16xf32> to vector<1x16xf32>
      tpu.vector_store %arg9[%swap3A_76, %swap3A_77], %swap3A_80 {strides = array<i32>} : memref<64x128xf32, #tpu.memory_space<vmem>>, vector<1x16xf32>,
    }
    %scan3A_4 = arith.constant 64 : i32
    %scan3A_5 = arith.constant 0 : i32
    %scan3A_6 = arith.constant 10 : i32
    %scan3A_7 = arith.addi %scan3A_5, %scan3A_6 : i32
    %scan3A_8 = arith.constant 1 : i32
    scf.for %scan3A_22 = %scan3A_5 to %scan3A_7 step %scan3A_8  : i32 {
      %mul3A_23 = arith.constant 1 : i32
      %mul3A_24 = arith.muli %scan3A_22, %mul3A_23 : i32
      %add3A_25 = arith.constant 0 : i32
      %add3A_26 = arith.addi %add3A_25, %mul3A_24 : i32
      %mul3A_27 = arith.constant 640 : i32
      %mul3A_28 = arith.muli %arg1, %mul3A_27 : i32
      %mul3A_29 = arith.constant 64 : i32
      %mul3A_30 = arith.muli %add3A_26, %mul3A_29 : i32
      %add3A_31 = arith.addi %mul3A_28, %mul3A_30 : i32
      "tpu.region"() ({
        %run_scoped3A = tpu.sem_alloc : memref<!tpu.dma_semaphore, #tpu.memory_space<semaphore_mem>>
        %dma_start3A = arith.constant 0 : i32
        %dma_start3A_32 = tpu.memref_slice %arg10[%add3A_31, %dma_start3A] : memref<10240x128xf32, #tpu.memory_space<vmem_shared>> -> memref<64x128xf32, #tpu.memory_space<vmem_shared>>
        %dma_start3A_33 = arith.constant 0 : i32
        %dma_start3A_34 = tpu.memref_slice %arg10[%add3A_31, %dma_start3A_33] : memref<10240x128xf32, #tpu.memory_space<vmem_shared>> -> memref<64x128xf32, #tpu.memory_space<vmem_shared>>
        tpu.enqueue_dma source(%arg9 : memref<64x128xf32, #tpu.memory_space<vmem>>) target(%dma_start3A_34 : memref<64x128xf32, #tpu.memory_space<vmem_shared>>) target_semaphore(%run_scoped3A : memref<!tpu.dma_semaphore, #tpu.memory_space<semaphore_mem>>)
        %dma_wait3A = arith.constant 0 : i32
        %dma_wait3A_35 = tpu.memref_slice %arg10[%add3A_31, %dma_wait3A] : memref<10240x128xf32, #tpu.memory_space<vmem_shared>> -> memref<64x128xf32, #tpu.memory_space<vmem_shared>>
        %dma_wait3A_36 = arith.constant 0 : i32
        %dma_wait3A_37 = tpu.memref_slice %arg10[%add3A_31, %dma_wait3A_36] : memref<10240x128xf32, #tpu.memory_space<vmem_shared>> -> memref<64x128xf32, #tpu.memory_space<vmem_shared>>
        tpu.wait_dma2 semaphore(%run_scoped3A : memref<!tpu.dma_semaphore, #tpu.memory_space<semaphore_mem>>) src(%arg9 : memref<64x128xf32, #tpu.memory_space<vmem>>) dst(%dma_wait3A_37 : memref<64x128xf32, #tpu.memory_space<vmem_shared>>)
        tpu.yield
      }) : () -> ()
    }
    %scan3A_9 = arith.constant 10 : i32
    %barrier3A = arith.constant 0 : index
    tpu.barrier barrier_id(%barrier3A)
    %scan3A_10 = arith.constant 0 : i32
    %scan3A_11 = arith.constant 80 : i32
    %scan3A_12 = arith.addi %scan3A_10, %scan3A_11 : i32
    %scan3A_13 = arith.constant 1 : i32
    scf.for %scan3A_22 = %scan3A_10 to %scan3A_12 step %scan3A_13  : i32 {
      %mul3A_23 = arith.constant 1 : i32
      %mul3A_24 = arith.muli %scan3A_22, %mul3A_23 : i32
      %add3A_25 = arith.constant 0 : i32
      %add3A_26 = arith.addi %add3A_25, %mul3A_24 : i32
      %dma_start3A = arith.constant 0 : i32
      %dma_start3A_27 = tpu.memref_slice %arg6[%add3A_26, %dma_start3A] : memref<80x128xi32, #tpu.memory_space<vmem>> -> memref<1x128xi32, #tpu.memory_space<vmem>>
      %dma_start3A_28 = tpu.memref_squeeze %dma_start3A_27 : memref<1x128xi32, #tpu.memory_space<vmem>> -> memref<128xi32, #tpu.memory_space<vmem>>
      %dma_start3A_29 = arith.constant 0 : i32
      %dma_start3A_30 = arith.constant 0 : i32
      %dma_start3A_31 = tpu.memref_slice %arg2[%dma_start3A_29, %dma_start3A_30] : memref<10000x128xf32, #tpu.memory_space<hbm>> -> memref<10000x128xf32, #tpu.memory_space<hbm>>
      tpu.enqueue_indirect_dma source(%dma_start3A_31 : memref<10000x128xf32, #tpu.memory_space<hbm>>) target(%arg8 : memref<128x128xf32, #tpu.memory_space<vmem>>) offsets(%dma_start3A_28 : memref<128xi32, #tpu.memory_space<vmem>>) semaphore(%arg11 : memref<!tpu.dma_semaphore, #tpu.memory_space<semaphore_mem>>)
      %dma_wait3A = arith.constant 0 : i32
      %dma_wait3A_32 = tpu.memref_slice %arg6[%add3A_26, %dma_wait3A] : memref<80x128xi32, #tpu.memory_space<vmem>> -> memref<1x128xi32, #tpu.memory_space<vmem>>
      %dma_wait3A_33 = tpu.memref_squeeze %dma_wait3A_32 : memref<1x128xi32, #tpu.memory_space<vmem>> -> memref<128xi32, #tpu.memory_space<vmem>>
      %dma_wait3A_34 = arith.constant 0 : i32
      %dma_wait3A_35 = arith.constant 0 : i32
      %dma_wait3A_36 = tpu.memref_slice %arg2[%dma_wait3A_34, %dma_wait3A_35] : memref<10000x128xf32, #tpu.memory_space<hbm>> -> memref<10000x128xf32, #tpu.memory_space<hbm>>
      tpu.wait_indirect_dma semaphore(%arg11 : memref<!tpu.dma_semaphore, #tpu.memory_space<semaphore_mem>>) src(%dma_wait3A_36 : memref<10000x128xf32, #tpu.memory_space<hbm>>) dst(%arg8 : memref<128x128xf32, #tpu.memory_space<vmem>>)
      %dma_start3A_37 = arith.constant 0 : i32
      %dma_start3A_38 = tpu.memref_slice %arg7[%add3A_26, %dma_start3A_37] : memref<80x128xi32, #tpu.memory_space<vmem>> -> memref<1x128xi32, #tpu.memory_space<vmem>>
      %dma_start3A_39 = tpu.memref_squeeze %dma_start3A_38 : memref<1x128xi32, #tpu.memory_space<vmem>> -> memref<128xi32, #tpu.memory_space<vmem>>
      %dma_start3A_40 = arith.constant 0 : i32
      %dma_start3A_41 = arith.constant 0 : i32
      %dma_start3A_42 = tpu.memref_slice %arg10[%dma_start3A_40, %dma_start3A_41] : memref<10240x128xf32, #tpu.memory_space<vmem_shared>> -> memref<10240x128xf32, #tpu.memory_space<vmem_shared>>
      tpu.enqueue_indirect_dma source(%arg8 : memref<128x128xf32, #tpu.memory_space<vmem>>) target(%dma_start3A_42 : memref<10240x128xf32, #tpu.memory_space<vmem_shared>>) offsets(%dma_start3A_39 : memref<128xi32, #tpu.memory_space<vmem>>) semaphore(%arg12 : memref<!tpu.dma_semaphore, #tpu.memory_space<semaphore_mem>>) {add = true}
      %dma_wait3A_43 = arith.constant 0 : i32
      %dma_wait3A_44 = tpu.memref_slice %arg7[%add3A_26, %dma_wait3A_43] : memref<80x128xi32, #tpu.memory_space<vmem>> -> memref<1x128xi32, #tpu.memory_space<vmem>>
      %dma_wait3A_45 = tpu.memref_squeeze %dma_wait3A_44 : memref<1x128xi32, #tpu.memory_space<vmem>> -> memref<128xi32, #tpu.memory_space<vmem>>
      %dma_wait3A_46 = arith.constant 0 : i32
      %dma_wait3A_47 = arith.constant 0 : i32
      %dma_wait3A_48 = tpu.memref_slice %arg10[%dma_wait3A_46, %dma_wait3A_47] : memref<10240x128xf32, #tpu.memory_space<vmem_shared>> -> memref<10240x128xf32, #tpu.memory_space<vmem_shared>>
      tpu.wait_indirect_dma semaphore(%arg12 : memref<!tpu.dma_semaphore, #tpu.memory_space<semaphore_mem>>) src(%arg8 : memref<128x128xf32, #tpu.memory_space<vmem>>) dst(%dma_wait3A_48 : memref<10240x128xf32, #tpu.memory_space<vmem_shared>>)
    }
    %scan3A_14 = arith.constant 80 : i32
    %barrier3A_15 = arith.constant 0 : index
    tpu.barrier barrier_id(%barrier3A_15)
    %lt3A = arith.constant 15 : i32
    %lt3A_16 = arith.cmpi slt, %arg1, %lt3A : i32
    %convert_element_type3A = arith.extui %lt3A_16 : i1 to i32
    %cond3A = arith.constant 0 : i32
    %cond3A_17 = arith.cmpi ne, %convert_element_type3A, %cond3A : i32
    scf.if %cond3A_17 {
      %mul3A_22 = arith.constant 640 : i32
      %mul3A_23 = arith.muli %arg1, %mul3A_22 : i32
      %mul3A_24 = arith.constant 640 : i32
      %mul3A_25 = arith.muli %arg1, %mul3A_24 : i32
      "tpu.region"() ({
        %run_scoped3A = tpu.sem_alloc : memref<!tpu.dma_semaphore, #tpu.memory_space<semaphore_mem>>
        %dma_start3A = arith.constant 0 : i32
        %dma_start3A_26 = tpu.memref_slice %arg5[%arg0, %mul3A_25, %dma_start3A] : memref<2x10000x128xf32, #tpu.memory_space<hbm>> -> memref<1x640x128xf32, #tpu.memory_space<hbm>>
        %dma_start3A_27 = tpu.memref_squeeze %dma_start3A_26 : memref<1x640x128xf32, #tpu.memory_space<hbm>> -> memref<640x128xf32, #tpu.memory_space<hbm>>
        %dma_start3A_28 = arith.constant 0 : i32
        %dma_start3A_29 = tpu.memref_slice %arg10[%mul3A_23, %dma_start3A_28] : memref<10240x128xf32, #tpu.memory_space<vmem_shared>> -> memref<640x128xf32, #tpu.memory_space<vmem_shared>>
        tpu.enqueue_dma source(%dma_start3A_29 : memref<640x128xf32, #tpu.memory_space<vmem_shared>>) target(%dma_start3A_27 : memref<640x128xf32, #tpu.memory_space<hbm>>) target_semaphore(%run_scoped3A : memref<!tpu.dma_semaphore, #tpu.memory_space<semaphore_mem>>)
        %dma_wait3A = arith.constant 0 : i32
        %dma_wait3A_30 = tpu.memref_slice %arg5[%arg0, %mul3A_25, %dma_wait3A] : memref<2x10000x128xf32, #tpu.memory_space<hbm>> -> memref<1x640x128xf32, #tpu.memory_space<hbm>>
        %dma_wait3A_31 = tpu.memref_squeeze %dma_wait3A_30 : memref<1x640x128xf32, #tpu.memory_space<hbm>> -> memref<640x128xf32, #tpu.memory_space<hbm>>
        %dma_wait3A_32 = arith.constant 0 : i32
        %dma_wait3A_33 = tpu.memref_slice %arg10[%mul3A_23, %dma_wait3A_32] : memref<10240x128xf32, #tpu.memory_space<vmem_shared>> -> memref<640x128xf32, #tpu.memory_space<vmem_shared>>
        tpu.wait_dma2 semaphore(%run_scoped3A : memref<!tpu.dma_semaphore, #tpu.memory_space<semaphore_mem>>) src(%dma_wait3A_33 : memref<640x128xf32, #tpu.memory_space<vmem_shared>>) dst(%dma_wait3A_31 : memref<640x128xf32, #tpu.memory_space<hbm>>)
        tpu.yield
      }) : () -> ()
    } else {
    }
    %eq3A = arith.constant 15 : i32
    %eq3A_18 = arith.cmpi eq, %arg1, %eq3A : i32
    %convert_element_type3A_19 = arith.extui %eq3A_18 : i1 to i32
    %cond3A_20 = arith.constant 0 : i32
    %cond3A_21 = arith.cmpi ne, %convert_element_type3A_19, %cond3A_20 : i32
    scf.if %cond3A_21 {
      "tpu.region"() ({
        %run_scoped3A = tpu.sem_alloc : memref<!tpu.dma_semaphore, #tpu.memory_space<semaphore_mem>>
        %dma_start3A = arith.constant 9600 : i32
        %dma_start3A_22 = arith.constant 0 : i32
        %dma_start3A_23 = tpu.memref_slice %arg5[%arg0, %dma_start3A, %dma_start3A_22] : memref<2x10000x128xf32, #tpu.memory_space<hbm>> -> memref<1x400x128xf32, #tpu.memory_space<hbm>>
        %dma_start3A_24 = tpu.memref_squeeze %dma_start3A_23 : memref<1x400x128xf32, #tpu.memory_space<hbm>> -> memref<400x128xf32, #tpu.memory_space<hbm>>
        %dma_start3A_25 = arith.constant 9600 : i32
        %dma_start3A_26 = arith.constant 0 : i32
        %dma_start3A_27 = tpu.memref_slice %arg10[%dma_start3A_25, %dma_start3A_26] : memref<10240x128xf32, #tpu.memory_space<vmem_shared>> -> memref<400x128xf32, #tpu.memory_space<vmem_shared>>
        tpu.enqueue_dma source(%dma_start3A_27 : memref<400x128xf32, #tpu.memory_space<vmem_shared>>) target(%dma_start3A_24 : memref<400x128xf32, #tpu.memory_space<hbm>>) target_semaphore(%run_scoped3A : memref<!tpu.dma_semaphore, #tpu.memory_space<semaphore_mem>>)
        %dma_wait3A = arith.constant 9600 : i32
        %dma_wait3A_28 = arith.constant 0 : i32
        %dma_wait3A_29 = tpu.memref_slice %arg5[%arg0, %dma_wait3A, %dma_wait3A_28] : memref<2x10000x128xf32, #tpu.memory_space<hbm>> -> memref<1x400x128xf32, #tpu.memory_space<hbm>>
        %dma_wait3A_30 = tpu.memref_squeeze %dma_wait3A_29 : memref<1x400x128xf32, #tpu.memory_space<hbm>> -> memref<400x128xf32, #tpu.memory_space<hbm>>
        %dma_wait3A_31 = arith.constant 9600 : i32
        %dma_wait3A_32 = arith.constant 0 : i32
        %dma_wait3A_33 = tpu.memref_slice %arg10[%dma_wait3A_31, %dma_wait3A_32] : memref<10240x128xf32, #tpu.memory_space<vmem_shared>> -> memref<400x128xf32, #tpu.memory_space<vmem_shared>>
        tpu.wait_dma2 semaphore(%run_scoped3A : memref<!tpu.dma_semaphore, #tpu.memory_space<semaphore_mem>>) src(%dma_wait3A_33 : memref<400x128xf32, #tpu.memory_space<vmem_shared>>) dst(%dma_wait3A_30 : memref<400x128xf32, #tpu.memory_space<hbm>>)
        tpu.yield
      }) : () -> ()
    } else {
    }
    return
  }
}

#map = affine_map<(d0, d1) -> (0, 0, 0)>
#map1 = affine_map<(d0, d1) -> (0, 0)>
module attributes {stable_mosaic.version = 14 : i64} {
  func.func @deg_kernel(%arg0: i32, %arg1: i32, %arg2: memref<32x80x128xi32, #tpu.memory_space<hbm>>, %arg3: memref<32x10240xf32, #tpu.memory_space<hbm>>, %arg4: memref<80x128xi32, #tpu.memory_space<vmem>>, %arg5: memref<10240xf32, #tpu.memory_space<vmem>>) attributes {dimension_semantics = [#tpu.dimension_semantics<core_parallel>, #tpu.dimension_semantics<subcore_parallel>], iteration_bounds = array<i64: 2, 16>, scalar_prefetch = 0 : i64, scratch_operands = 2 : i64, tpu.core_type = #tpu.core_type<sc_vector_subcore>, window_params = [{transform_indices = #map}, {transform_indices = #map1}]} {
    %mul3A = arith.constant 16 : i32
    %mul3A_0 = arith.muli %arg0, %mul3A : i32
    %add3A = arith.addi %mul3A_0, %arg1 : i32
    "tpu.region"() ({
      %run_scoped3A = tpu.sem_alloc : memref<!tpu.dma_semaphore, #tpu.memory_space<semaphore_mem>>
      %dma_start3A = arith.constant 0 : i32
      %dma_start3A_11 = arith.constant 0 : i32
      %dma_start3A_12 = tpu.memref_slice %arg2[%add3A, %dma_start3A, %dma_start3A_11] : memref<32x80x128xi32, #tpu.memory_space<hbm>> -> memref<1x80x128xi32, #tpu.memory_space<hbm>>
      %dma_start3A_13 = tpu.memref_squeeze %dma_start3A_12 : memref<1x80x128xi32, #tpu.memory_space<hbm>> -> memref<80x128xi32, #tpu.memory_space<hbm>>
      %dma_start3A_14 = arith.constant 0 : i32
      %dma_start3A_15 = arith.constant 0 : i32
      %dma_start3A_16 = tpu.memref_slice %arg2[%add3A, %dma_start3A_14, %dma_start3A_15] : memref<32x80x128xi32, #tpu.memory_space<hbm>> -> memref<1x80x128xi32, #tpu.memory_space<hbm>>
      %dma_start3A_17 = tpu.memref_squeeze %dma_start3A_16 : memref<1x80x128xi32, #tpu.memory_space<hbm>> -> memref<80x128xi32, #tpu.memory_space<hbm>>
      tpu.enqueue_dma source(%dma_start3A_17 : memref<80x128xi32, #tpu.memory_space<hbm>>) target(%arg4 : memref<80x128xi32, #tpu.memory_space<vmem>>) target_semaphore(%run_scoped3A : memref<!tpu.dma_semaphore, #tpu.memory_space<semaphore_mem>>)
      %dma_wait3A = arith.constant 0 : i32
      %dma_wait3A_18 = arith.constant 0 : i32
      %dma_wait3A_19 = tpu.memref_slice %arg2[%add3A, %dma_wait3A, %dma_wait3A_18] : memref<32x80x128xi32, #tpu.memory_space<hbm>> -> memref<1x80x128xi32, #tpu.memory_space<hbm>>
      %dma_wait3A_20 = tpu.memref_squeeze %dma_wait3A_19 : memref<1x80x128xi32, #tpu.memory_space<hbm>> -> memref<80x128xi32, #tpu.memory_space<hbm>>
      %dma_wait3A_21 = arith.constant 0 : i32
      %dma_wait3A_22 = arith.constant 0 : i32
      %dma_wait3A_23 = tpu.memref_slice %arg2[%add3A, %dma_wait3A_21, %dma_wait3A_22] : memref<32x80x128xi32, #tpu.memory_space<hbm>> -> memref<1x80x128xi32, #tpu.memory_space<hbm>>
      %dma_wait3A_24 = tpu.memref_squeeze %dma_wait3A_23 : memref<1x80x128xi32, #tpu.memory_space<hbm>> -> memref<80x128xi32, #tpu.memory_space<hbm>>
      tpu.wait_dma2 semaphore(%run_scoped3A : memref<!tpu.dma_semaphore, #tpu.memory_space<semaphore_mem>>) src(%dma_wait3A_24 : memref<80x128xi32, #tpu.memory_space<hbm>>) dst(%arg4 : memref<80x128xi32, #tpu.memory_space<vmem>>)
      tpu.yield
    }) : () -> ()
    %scan3A = arith.constant 0 : i32
    %scan3A_1 = arith.constant 640 : i32
    %scan3A_2 = arith.addi %scan3A, %scan3A_1 : i32
    %scan3A_3 = arith.constant 1 : i32
    scf.for %scan3A_11 = %scan3A to %scan3A_2 step %scan3A_3  : i32 {
      %mul3A_12 = arith.constant 1 : i32
      %mul3A_13 = arith.muli %scan3A_11, %mul3A_12 : i32
      %add3A_14 = arith.constant 0 : i32
      %add3A_15 = arith.addi %add3A_14, %mul3A_13 : i32
      %broadcast_in_dim3A_16 = arith.constant 0.000000e+00 : f32
      %broadcast_in_dim3A_17 = vector.broadcast %broadcast_in_dim3A_16 : f32 to vector<16xf32>
      %mul3A_18 = arith.constant 16 : i32
      %mul3A_19 = arith.muli %add3A_15, %mul3A_18 : i32
      %swap3A = arith.index_cast %mul3A_19 : i32 to index
      %swap3A_20 = tpu.vector_load %arg5[%swap3A] {strides = array<i32>} : memref<10240xf32, #tpu.memory_space<vmem>>, vector<16xf32>,
      tpu.vector_store %arg5[%swap3A], %broadcast_in_dim3A_17 {strides = array<i32>} : memref<10240xf32, #tpu.memory_space<vmem>>, vector<16xf32>,
    }
    %scan3A_4 = arith.constant 640 : i32
    %broadcast_in_dim3A = arith.constant 1.000000e+00 : f32
    %broadcast_in_dim3A_5 = vector.broadcast %broadcast_in_dim3A : f32 to vector<16xf32>
    %scan3A_6 = arith.constant 0 : i32
    %scan3A_7 = arith.constant 80 : i32
    %scan3A_8 = arith.addi %scan3A_6, %scan3A_7 : i32
    %scan3A_9 = arith.constant 1 : i32
    scf.for %scan3A_11 = %scan3A_6 to %scan3A_8 step %scan3A_9  : i32 {
      %mul3A_12 = arith.constant 1 : i32
      %mul3A_13 = arith.muli %scan3A_11, %mul3A_12 : i32
      %add3A_14 = arith.constant 0 : i32
      %add3A_15 = arith.addi %add3A_14, %mul3A_13 : i32
      %get3A = arith.index_cast %add3A_15 : i32 to index
      %get3A_16 = arith.constant 0 : index
      %get3A_17 = tpu.vector_load %arg4[%get3A, %get3A_16] {strides = array<i32>} : memref<80x128xi32, #tpu.memory_space<vmem>>, vector<16xi32>,
      tpu.vector_store_idx %arg5[%get3A_17], %broadcast_in_dim3A_5 {add = true} : memref<10240xf32, #tpu.memory_space<vmem>>[vector<16xi32>], vector<16xf32>,
      %get3A_18 = arith.index_cast %add3A_15 : i32 to index
      %get3A_19 = arith.constant 16 : index
      %get3A_20 = tpu.vector_load %arg4[%get3A_18, %get3A_19] {strides = array<i32>} : memref<80x128xi32, #tpu.memory_space<vmem>>, vector<16xi32>,
      tpu.vector_store_idx %arg5[%get3A_20], %broadcast_in_dim3A_5 {add = true} : memref<10240xf32, #tpu.memory_space<vmem>>[vector<16xi32>], vector<16xf32>,
      %get3A_21 = arith.index_cast %add3A_15 : i32 to index
      %get3A_22 = arith.constant 32 : index
      %get3A_23 = tpu.vector_load %arg4[%get3A_21, %get3A_22] {strides = array<i32>} : memref<80x128xi32, #tpu.memory_space<vmem>>, vector<16xi32>,
      tpu.vector_store_idx %arg5[%get3A_23], %broadcast_in_dim3A_5 {add = true} : memref<10240xf32, #tpu.memory_space<vmem>>[vector<16xi32>], vector<16xf32>,
      %get3A_24 = arith.index_cast %add3A_15 : i32 to index
      %get3A_25 = arith.constant 48 : index
      %get3A_26 = tpu.vector_load %arg4[%get3A_24, %get3A_25] {strides = array<i32>} : memref<80x128xi32, #tpu.memory_space<vmem>>, vector<16xi32>,
      tpu.vector_store_idx %arg5[%get3A_26], %broadcast_in_dim3A_5 {add = true} : memref<10240xf32, #tpu.memory_space<vmem>>[vector<16xi32>], vector<16xf32>,
      %get3A_27 = arith.index_cast %add3A_15 : i32 to index
      %get3A_28 = arith.constant 64 : index
      %get3A_29 = tpu.vector_load %arg4[%get3A_27, %get3A_28] {strides = array<i32>} : memref<80x128xi32, #tpu.memory_space<vmem>>, vector<16xi32>,
      tpu.vector_store_idx %arg5[%get3A_29], %broadcast_in_dim3A_5 {add = true} : memref<10240xf32, #tpu.memory_space<vmem>>[vector<16xi32>], vector<16xf32>,
      %get3A_30 = arith.index_cast %add3A_15 : i32 to index
      %get3A_31 = arith.constant 80 : index
      %get3A_32 = tpu.vector_load %arg4[%get3A_30, %get3A_31] {strides = array<i32>} : memref<80x128xi32, #tpu.memory_space<vmem>>, vector<16xi32>,
      tpu.vector_store_idx %arg5[%get3A_32], %broadcast_in_dim3A_5 {add = true} : memref<10240xf32, #tpu.memory_space<vmem>>[vector<16xi32>], vector<16xf32>,
      %get3A_33 = arith.index_cast %add3A_15 : i32 to index
      %get3A_34 = arith.constant 96 : index
      %get3A_35 = tpu.vector_load %arg4[%get3A_33, %get3A_34] {strides = array<i32>} : memref<80x128xi32, #tpu.memory_space<vmem>>, vector<16xi32>,
      tpu.vector_store_idx %arg5[%get3A_35], %broadcast_in_dim3A_5 {add = true} : memref<10240xf32, #tpu.memory_space<vmem>>[vector<16xi32>], vector<16xf32>,
      %get3A_36 = arith.index_cast %add3A_15 : i32 to index
      %get3A_37 = arith.constant 112 : index
      %get3A_38 = tpu.vector_load %arg4[%get3A_36, %get3A_37] {strides = array<i32>} : memref<80x128xi32, #tpu.memory_space<vmem>>, vector<16xi32>,
      tpu.vector_store_idx %arg5[%get3A_38], %broadcast_in_dim3A_5 {add = true} : memref<10240xf32, #tpu.memory_space<vmem>>[vector<16xi32>], vector<16xf32>,
    }
    %scan3A_10 = arith.constant 80 : i32
    "tpu.region"() ({
      %run_scoped3A = tpu.sem_alloc : memref<!tpu.dma_semaphore, #tpu.memory_space<semaphore_mem>>
      %dma_start3A = arith.constant 0 : i32
      %dma_start3A_11 = tpu.memref_slice %arg3[%add3A, %dma_start3A] : memref<32x10240xf32, #tpu.memory_space<hbm>> -> memref<1x10240xf32, #tpu.memory_space<hbm>>
      %dma_start3A_12 = tpu.memref_squeeze %dma_start3A_11 : memref<1x10240xf32, #tpu.memory_space<hbm>> -> memref<10240xf32, #tpu.memory_space<hbm>>
      %dma_start3A_13 = arith.constant 0 : i32
      %dma_start3A_14 = tpu.memref_slice %arg3[%add3A, %dma_start3A_13] : memref<32x10240xf32, #tpu.memory_space<hbm>> -> memref<1x10240xf32, #tpu.memory_space<hbm>>
      %dma_start3A_15 = tpu.memref_squeeze %dma_start3A_14 : memref<1x10240xf32, #tpu.memory_space<hbm>> -> memref<10240xf32, #tpu.memory_space<hbm>>
      tpu.enqueue_dma source(%arg5 : memref<10240xf32, #tpu.memory_space<vmem>>) target(%dma_start3A_15 : memref<10240xf32, #tpu.memory_space<hbm>>) target_semaphore(%run_scoped3A : memref<!tpu.dma_semaphore, #tpu.memory_space<semaphore_mem>>)
      %dma_wait3A = arith.constant 0 : i32
      %dma_wait3A_16 = tpu.memref_slice %arg3[%add3A, %dma_wait3A] : memref<32x10240xf32, #tpu.memory_space<hbm>> -> memref<1x10240xf32, #tpu.memory_space<hbm>>
      %dma_wait3A_17 = tpu.memref_squeeze %dma_wait3A_16 : memref<1x10240xf32, #tpu.memory_space<hbm>> -> memref<10240xf32, #tpu.memory_space<hbm>>
      %dma_wait3A_18 = arith.constant 0 : i32
      %dma_wait3A_19 = tpu.memref_slice %arg3[%add3A, %dma_wait3A_18] : memref<32x10240xf32, #tpu.memory_space<hbm>> -> memref<1x10240xf32, #tpu.memory_space<hbm>>
      %dma_wait3A_20 = tpu.memref_squeeze %dma_wait3A_19 : memref<1x10240xf32, #tpu.memory_space<hbm>> -> memref<10240xf32, #tpu.memory_space<hbm>>
      tpu.wait_dma2 semaphore(%run_scoped3A : memref<!tpu.dma_semaphore, #tpu.memory_space<semaphore_mem>>) src(%arg5 : memref<10240xf32, #tpu.memory_space<vmem>>) dst(%dma_wait3A_20 : memref<10240xf32, #tpu.memory_space<hbm>>)
      tpu.yield
    }) : () -> ()
    return
  }
}

#map = affine_map<(d0, d1) -> (0, 0)>
#map1 = affine_map<(d0, d1) -> (0, 0, 0)>
module attributes {stable_mosaic.version = 14 : i64} {
  func.func @agg_kernel(%arg0: i32, %arg1: i32, %arg2: memref<10000x128xf32, #tpu.memory_space<hbm>>, %arg3: memref<32x80x128xi32, #tpu.memory_space<hbm>>, %arg4: memref<32x80x128xi32, #tpu.memory_space<hbm>>, %arg5: memref<2x10000x128xf32, #tpu.memory_space<hbm>>, %arg6: memref<80x128xi32, #tpu.memory_space<vmem>>, %arg7: memref<80x128xi32, #tpu.memory_space<vmem>>, %arg8: memref<128x128xf32, #tpu.memory_space<vmem>>, %arg9: memref<64x128xf32, #tpu.memory_space<vmem>>, %arg10: memref<10240x128xf32, #tpu.memory_space<vmem_shared>>, %arg11: memref<!tpu.dma_semaphore, #tpu.memory_space<semaphore_mem>>, %arg12: memref<!tpu.dma_semaphore, #tpu.memory_space<semaphore_mem>>) attributes {dimension_semantics = [#tpu.dimension_semantics<core_parallel>, #tpu.dimension_semantics<subcore_parallel>], iteration_bounds = array<i64: 2, 16>, scalar_prefetch = 0 : i64, scratch_operands = 7 : i64, tpu.core_type = #tpu.core_type<sc_vector_subcore>, window_params = [{transform_indices = #map}, {transform_indices = #map1}, {transform_indices = #map1}, {transform_indices = #map1}]} {
    %mul3A = arith.constant 16 : i32
    %mul3A_0 = arith.muli %arg0, %mul3A : i32
    %add3A = arith.addi %mul3A_0, %arg1 : i32
    "tpu.region"() ({
      %run_scoped3A = tpu.sem_alloc : memref<!tpu.dma_semaphore, #tpu.memory_space<semaphore_mem>>
      %dma_start3A = arith.constant 0 : i32
      %dma_start3A_22 = arith.constant 0 : i32
      %dma_start3A_23 = tpu.memref_slice %arg3[%add3A, %dma_start3A, %dma_start3A_22] : memref<32x80x128xi32, #tpu.memory_space<hbm>> -> memref<1x80x128xi32, #tpu.memory_space<hbm>>
      %dma_start3A_24 = tpu.memref_squeeze %dma_start3A_23 : memref<1x80x128xi32, #tpu.memory_space<hbm>> -> memref<80x128xi32, #tpu.memory_space<hbm>>
      %dma_start3A_25 = arith.constant 0 : i32
      %dma_start3A_26 = arith.constant 0 : i32
      %dma_start3A_27 = tpu.memref_slice %arg3[%add3A, %dma_start3A_25, %dma_start3A_26] : memref<32x80x128xi32, #tpu.memory_space<hbm>> -> memref<1x80x128xi32, #tpu.memory_space<hbm>>
      %dma_start3A_28 = tpu.memref_squeeze %dma_start3A_27 : memref<1x80x128xi32, #tpu.memory_space<hbm>> -> memref<80x128xi32, #tpu.memory_space<hbm>>
      tpu.enqueue_dma source(%dma_start3A_28 : memref<80x128xi32, #tpu.memory_space<hbm>>) target(%arg6 : memref<80x128xi32, #tpu.memory_space<vmem>>) target_semaphore(%run_scoped3A : memref<!tpu.dma_semaphore, #tpu.memory_space<semaphore_mem>>)
      %dma_wait3A = arith.constant 0 : i32
      %dma_wait3A_29 = arith.constant 0 : i32
      %dma_wait3A_30 = tpu.memref_slice %arg3[%add3A, %dma_wait3A, %dma_wait3A_29] : memref<32x80x128xi32, #tpu.memory_space<hbm>> -> memref<1x80x128xi32, #tpu.memory_space<hbm>>
      %dma_wait3A_31 = tpu.memref_squeeze %dma_wait3A_30 : memref<1x80x128xi32, #tpu.memory_space<hbm>> -> memref<80x128xi32, #tpu.memory_space<hbm>>
      %dma_wait3A_32 = arith.constant 0 : i32
      %dma_wait3A_33 = arith.constant 0 : i32
      %dma_wait3A_34 = tpu.memref_slice %arg3[%add3A, %dma_wait3A_32, %dma_wait3A_33] : memref<32x80x128xi32, #tpu.memory_space<hbm>> -> memref<1x80x128xi32, #tpu.memory_space<hbm>>
      %dma_wait3A_35 = tpu.memref_squeeze %dma_wait3A_34 : memref<1x80x128xi32, #tpu.memory_space<hbm>> -> memref<80x128xi32, #tpu.memory_space<hbm>>
      tpu.wait_dma2 semaphore(%run_scoped3A : memref<!tpu.dma_semaphore, #tpu.memory_space<semaphore_mem>>) src(%dma_wait3A_35 : memref<80x128xi32, #tpu.memory_space<hbm>>) dst(%arg6 : memref<80x128xi32, #tpu.memory_space<vmem>>)
      tpu.yield
    }) : () -> ()
    "tpu.region"() ({
      %run_scoped3A = tpu.sem_alloc : memref<!tpu.dma_semaphore, #tpu.memory_space<semaphore_mem>>
      %dma_start3A = arith.constant 0 : i32
      %dma_start3A_22 = arith.constant 0 : i32
      %dma_start3A_23 = tpu.memref_slice %arg4[%add3A, %dma_start3A, %dma_start3A_22] : memref<32x80x128xi32, #tpu.memory_space<hbm>> -> memref<1x80x128xi32, #tpu.memory_space<hbm>>
      %dma_start3A_24 = tpu.memref_squeeze %dma_start3A_23 : memref<1x80x128xi32, #tpu.memory_space<hbm>> -> memref<80x128xi32, #tpu.memory_space<hbm>>
      %dma_start3A_25 = arith.constant 0 : i32
      %dma_start3A_26 = arith.constant 0 : i32
      %dma_start3A_27 = tpu.memref_slice %arg4[%add3A, %dma_start3A_25, %dma_start3A_26] : memref<32x80x128xi32, #tpu.memory_space<hbm>> -> memref<1x80x128xi32, #tpu.memory_space<hbm>>
      %dma_start3A_28 = tpu.memref_squeeze %dma_start3A_27 : memref<1x80x128xi32, #tpu.memory_space<hbm>> -> memref<80x128xi32, #tpu.memory_space<hbm>>
      tpu.enqueue_dma source(%dma_start3A_28 : memref<80x128xi32, #tpu.memory_space<hbm>>) target(%arg7 : memref<80x128xi32, #tpu.memory_space<vmem>>) target_semaphore(%run_scoped3A : memref<!tpu.dma_semaphore, #tpu.memory_space<semaphore_mem>>)
      %dma_wait3A = arith.constant 0 : i32
      %dma_wait3A_29 = arith.constant 0 : i32
      %dma_wait3A_30 = tpu.memref_slice %arg4[%add3A, %dma_wait3A, %dma_wait3A_29] : memref<32x80x128xi32, #tpu.memory_space<hbm>> -> memref<1x80x128xi32, #tpu.memory_space<hbm>>
      %dma_wait3A_31 = tpu.memref_squeeze %dma_wait3A_30 : memref<1x80x128xi32, #tpu.memory_space<hbm>> -> memref<80x128xi32, #tpu.memory_space<hbm>>
      %dma_wait3A_32 = arith.constant 0 : i32
      %dma_wait3A_33 = arith.constant 0 : i32
      %dma_wait3A_34 = tpu.memref_slice %arg4[%add3A, %dma_wait3A_32, %dma_wait3A_33] : memref<32x80x128xi32, #tpu.memory_space<hbm>> -> memref<1x80x128xi32, #tpu.memory_space<hbm>>
      %dma_wait3A_35 = tpu.memref_squeeze %dma_wait3A_34 : memref<1x80x128xi32, #tpu.memory_space<hbm>> -> memref<80x128xi32, #tpu.memory_space<hbm>>
      tpu.wait_dma2 semaphore(%run_scoped3A : memref<!tpu.dma_semaphore, #tpu.memory_space<semaphore_mem>>) src(%dma_wait3A_35 : memref<80x128xi32, #tpu.memory_space<hbm>>) dst(%arg7 : memref<80x128xi32, #tpu.memory_space<vmem>>)
      tpu.yield
    }) : () -> ()
    %scan3A = arith.constant 0 : i32
    %scan3A_1 = arith.constant 64 : i32
    %scan3A_2 = arith.addi %scan3A, %scan3A_1 : i32
    %scan3A_3 = arith.constant 1 : i32
    scf.for %scan3A_22 = %scan3A to %scan3A_2 step %scan3A_3  : i32 {
      %mul3A_23 = arith.constant 1 : i32
      %mul3A_24 = arith.muli %scan3A_22, %mul3A_23 : i32
      %add3A_25 = arith.constant 0 : i32
      %add3A_26 = arith.addi %add3A_25, %mul3A_24 : i32
      %broadcast_in_dim3A = arith.constant 0.000000e+00 : f32
      %broadcast_in_dim3A_27 = vector.broadcast %broadcast_in_dim3A : f32 to vector<16xf32>
      %swap3A = arith.index_cast %add3A_26 : i32 to index
      %swap3A_28 = arith.constant 0 : index
      %swap3A_29 = tpu.vector_load %arg9[%swap3A, %swap3A_28] {strides = array<i32>} : memref<64x128xf32, #tpu.memory_space<vmem>>, vector<1x16xf32>,
      %swap3A_30 = vector.shape_cast %swap3A_29 : vector<1x16xf32> to vector<16xf32>
      %swap3A_31 = vector.shape_cast %broadcast_in_dim3A_27 : vector<16xf32> to vector<1x16xf32>
      tpu.vector_store %arg9[%swap3A, %swap3A_28], %swap3A_31 {strides = array<i32>} : memref<64x128xf32, #tpu.memory_space<vmem>>, vector<1x16xf32>,
      %broadcast_in_dim3A_32 = arith.constant 0.000000e+00 : f32
      %broadcast_in_dim3A_33 = vector.broadcast %broadcast_in_dim3A_32 : f32 to vector<16xf32>
      %swap3A_34 = arith.index_cast %add3A_26 : i32 to index
      %swap3A_35 = arith.constant 16 : index
      %swap3A_36 = tpu.vector_load %arg9[%swap3A_34, %swap3A_35] {strides = array<i32>} : memref<64x128xf32, #tpu.memory_space<vmem>>, vector<1x16xf32>,
      %swap3A_37 = vector.shape_cast %swap3A_36 : vector<1x16xf32> to vector<16xf32>
      %swap3A_38 = vector.shape_cast %broadcast_in_dim3A_33 : vector<16xf32> to vector<1x16xf32>
      tpu.vector_store %arg9[%swap3A_34, %swap3A_35], %swap3A_38 {strides = array<i32>} : memref<64x128xf32, #tpu.memory_space<vmem>>, vector<1x16xf32>,
      %broadcast_in_dim3A_39 = arith.constant 0.000000e+00 : f32
      %broadcast_in_dim3A_40 = vector.broadcast %broadcast_in_dim3A_39 : f32 to vector<16xf32>
      %swap3A_41 = arith.index_cast %add3A_26 : i32 to index
      %swap3A_42 = arith.constant 32 : index
      %swap3A_43 = tpu.vector_load %arg9[%swap3A_41, %swap3A_42] {strides = array<i32>} : memref<64x128xf32, #tpu.memory_space<vmem>>, vector<1x16xf32>,
      %swap3A_44 = vector.shape_cast %swap3A_43 : vector<1x16xf32> to vector<16xf32>
      %swap3A_45 = vector.shape_cast %broadcast_in_dim3A_40 : vector<16xf32> to vector<1x16xf32>
      tpu.vector_store %arg9[%swap3A_41, %swap3A_42], %swap3A_45 {strides = array<i32>} : memref<64x128xf32, #tpu.memory_space<vmem>>, vector<1x16xf32>,
      %broadcast_in_dim3A_46 = arith.constant 0.000000e+00 : f32
      %broadcast_in_dim3A_47 = vector.broadcast %broadcast_in_dim3A_46 : f32 to vector<16xf32>
      %swap3A_48 = arith.index_cast %add3A_26 : i32 to index
      %swap3A_49 = arith.constant 48 : index
      %swap3A_50 = tpu.vector_load %arg9[%swap3A_48, %swap3A_49] {strides = array<i32>} : memref<64x128xf32, #tpu.memory_space<vmem>>, vector<1x16xf32>,
      %swap3A_51 = vector.shape_cast %swap3A_50 : vector<1x16xf32> to vector<16xf32>
      %swap3A_52 = vector.shape_cast %broadcast_in_dim3A_47 : vector<16xf32> to vector<1x16xf32>
      tpu.vector_store %arg9[%swap3A_48, %swap3A_49], %swap3A_52 {strides = array<i32>} : memref<64x128xf32, #tpu.memory_space<vmem>>, vector<1x16xf32>,
      %broadcast_in_dim3A_53 = arith.constant 0.000000e+00 : f32
      %broadcast_in_dim3A_54 = vector.broadcast %broadcast_in_dim3A_53 : f32 to vector<16xf32>
      %swap3A_55 = arith.index_cast %add3A_26 : i32 to index
      %swap3A_56 = arith.constant 64 : index
      %swap3A_57 = tpu.vector_load %arg9[%swap3A_55, %swap3A_56] {strides = array<i32>} : memref<64x128xf32, #tpu.memory_space<vmem>>, vector<1x16xf32>,
      %swap3A_58 = vector.shape_cast %swap3A_57 : vector<1x16xf32> to vector<16xf32>
      %swap3A_59 = vector.shape_cast %broadcast_in_dim3A_54 : vector<16xf32> to vector<1x16xf32>
      tpu.vector_store %arg9[%swap3A_55, %swap3A_56], %swap3A_59 {strides = array<i32>} : memref<64x128xf32, #tpu.memory_space<vmem>>, vector<1x16xf32>,
      %broadcast_in_dim3A_60 = arith.constant 0.000000e+00 : f32
      %broadcast_in_dim3A_61 = vector.broadcast %broadcast_in_dim3A_60 : f32 to vector<16xf32>
      %swap3A_62 = arith.index_cast %add3A_26 : i32 to index
      %swap3A_63 = arith.constant 80 : index
      %swap3A_64 = tpu.vector_load %arg9[%swap3A_62, %swap3A_63] {strides = array<i32>} : memref<64x128xf32, #tpu.memory_space<vmem>>, vector<1x16xf32>,
      %swap3A_65 = vector.shape_cast %swap3A_64 : vector<1x16xf32> to vector<16xf32>
      %swap3A_66 = vector.shape_cast %broadcast_in_dim3A_61 : vector<16xf32> to vector<1x16xf32>
      tpu.vector_store %arg9[%swap3A_62, %swap3A_63], %swap3A_66 {strides = array<i32>} : memref<64x128xf32, #tpu.memory_space<vmem>>, vector<1x16xf32>,
      %broadcast_in_dim3A_67 = arith.constant 0.000000e+00 : f32
      %broadcast_in_dim3A_68 = vector.broadcast %broadcast_in_dim3A_67 : f32 to vector<16xf32>
      %swap3A_69 = arith.index_cast %add3A_26 : i32 to index
      %swap3A_70 = arith.constant 96 : index
      %swap3A_71 = tpu.vector_load %arg9[%swap3A_69, %swap3A_70] {strides = array<i32>} : memref<64x128xf32, #tpu.memory_space<vmem>>, vector<1x16xf32>,
      %swap3A_72 = vector.shape_cast %swap3A_71 : vector<1x16xf32> to vector<16xf32>
      %swap3A_73 = vector.shape_cast %broadcast_in_dim3A_68 : vector<16xf32> to vector<1x16xf32>
      tpu.vector_store %arg9[%swap3A_69, %swap3A_70], %swap3A_73 {strides = array<i32>} : memref<64x128xf32, #tpu.memory_space<vmem>>, vector<1x16xf32>,
      %broadcast_in_dim3A_74 = arith.constant 0.000000e+00 : f32
      %broadcast_in_dim3A_75 = vector.broadcast %broadcast_in_dim3A_74 : f32 to vector<16xf32>
      %swap3A_76 = arith.index_cast %add3A_26 : i32 to index
      %swap3A_77 = arith.constant 112 : index
      %swap3A_78 = tpu.vector_load %arg9[%swap3A_76, %swap3A_77] {strides = array<i32>} : memref<64x128xf32, #tpu.memory_space<vmem>>, vector<1x16xf32>,
      %swap3A_79 = vector.shape_cast %swap3A_78 : vector<1x16xf32> to vector<16xf32>
      %swap3A_80 = vector.shape_cast %broadcast_in_dim3A_75 : vector<16xf32> to vector<1x16xf32>
      tpu.vector_store %arg9[%swap3A_76, %swap3A_77], %swap3A_80 {strides = array<i32>} : memref<64x128xf32, #tpu.memory_space<vmem>>, vector<1x16xf32>,
    }
    %scan3A_4 = arith.constant 64 : i32
    %scan3A_5 = arith.constant 0 : i32
    %scan3A_6 = arith.constant 10 : i32
    %scan3A_7 = arith.addi %scan3A_5, %scan3A_6 : i32
    %scan3A_8 = arith.constant 1 : i32
    scf.for %scan3A_22 = %scan3A_5 to %scan3A_7 step %scan3A_8  : i32 {
      %mul3A_23 = arith.constant 1 : i32
      %mul3A_24 = arith.muli %scan3A_22, %mul3A_23 : i32
      %add3A_25 = arith.constant 0 : i32
      %add3A_26 = arith.addi %add3A_25, %mul3A_24 : i32
      %mul3A_27 = arith.constant 640 : i32
      %mul3A_28 = arith.muli %arg1, %mul3A_27 : i32
      %mul3A_29 = arith.constant 64 : i32
      %mul3A_30 = arith.muli %add3A_26, %mul3A_29 : i32
      %add3A_31 = arith.addi %mul3A_28, %mul3A_30 : i32
      "tpu.region"() ({
        %run_scoped3A = tpu.sem_alloc : memref<!tpu.dma_semaphore, #tpu.memory_space<semaphore_mem>>
        %dma_start3A = arith.constant 0 : i32
        %dma_start3A_32 = tpu.memref_slice %arg10[%add3A_31, %dma_start3A] : memref<10240x128xf32, #tpu.memory_space<vmem_shared>> -> memref<64x128xf32, #tpu.memory_space<vmem_shared>>
        %dma_start3A_33 = arith.constant 0 : i32
        %dma_start3A_34 = tpu.memref_slice %arg10[%add3A_31, %dma_start3A_33] : memref<10240x128xf32, #tpu.memory_space<vmem_shared>> -> memref<64x128xf32, #tpu.memory_space<vmem_shared>>
        tpu.enqueue_dma source(%arg9 : memref<64x128xf32, #tpu.memory_space<vmem>>) target(%dma_start3A_34 : memref<64x128xf32, #tpu.memory_space<vmem_shared>>) target_semaphore(%run_scoped3A : memref<!tpu.dma_semaphore, #tpu.memory_space<semaphore_mem>>)
        %dma_wait3A = arith.constant 0 : i32
        %dma_wait3A_35 = tpu.memref_slice %arg10[%add3A_31, %dma_wait3A] : memref<10240x128xf32, #tpu.memory_space<vmem_shared>> -> memref<64x128xf32, #tpu.memory_space<vmem_shared>>
        %dma_wait3A_36 = arith.constant 0 : i32
        %dma_wait3A_37 = tpu.memref_slice %arg10[%add3A_31, %dma_wait3A_36] : memref<10240x128xf32, #tpu.memory_space<vmem_shared>> -> memref<64x128xf32, #tpu.memory_space<vmem_shared>>
        tpu.wait_dma2 semaphore(%run_scoped3A : memref<!tpu.dma_semaphore, #tpu.memory_space<semaphore_mem>>) src(%arg9 : memref<64x128xf32, #tpu.memory_space<vmem>>) dst(%dma_wait3A_37 : memref<64x128xf32, #tpu.memory_space<vmem_shared>>)
        tpu.yield
      }) : () -> ()
    }
    %scan3A_9 = arith.constant 10 : i32
    %barrier3A = arith.constant 0 : index
    tpu.barrier barrier_id(%barrier3A)
    %scan3A_10 = arith.constant 0 : i32
    %scan3A_11 = arith.constant 80 : i32
    %scan3A_12 = arith.addi %scan3A_10, %scan3A_11 : i32
    %scan3A_13 = arith.constant 1 : i32
    scf.for %scan3A_22 = %scan3A_10 to %scan3A_12 step %scan3A_13  : i32 {
      %mul3A_23 = arith.constant 1 : i32
      %mul3A_24 = arith.muli %scan3A_22, %mul3A_23 : i32
      %add3A_25 = arith.constant 0 : i32
      %add3A_26 = arith.addi %add3A_25, %mul3A_24 : i32
      %dma_start3A = arith.constant 0 : i32
      %dma_start3A_27 = tpu.memref_slice %arg6[%add3A_26, %dma_start3A] : memref<80x128xi32, #tpu.memory_space<vmem>> -> memref<1x128xi32, #tpu.memory_space<vmem>>
      %dma_start3A_28 = tpu.memref_squeeze %dma_start3A_27 : memref<1x128xi32, #tpu.memory_space<vmem>> -> memref<128xi32, #tpu.memory_space<vmem>>
      %dma_start3A_29 = arith.constant 0 : i32
      %dma_start3A_30 = arith.constant 0 : i32
      %dma_start3A_31 = tpu.memref_slice %arg2[%dma_start3A_29, %dma_start3A_30] : memref<10000x128xf32, #tpu.memory_space<hbm>> -> memref<10000x128xf32, #tpu.memory_space<hbm>>
      tpu.enqueue_indirect_dma source(%dma_start3A_31 : memref<10000x128xf32, #tpu.memory_space<hbm>>) target(%arg8 : memref<128x128xf32, #tpu.memory_space<vmem>>) offsets(%dma_start3A_28 : memref<128xi32, #tpu.memory_space<vmem>>) semaphore(%arg11 : memref<!tpu.dma_semaphore, #tpu.memory_space<semaphore_mem>>)
      %dma_wait3A = arith.constant 0 : i32
      %dma_wait3A_32 = tpu.memref_slice %arg6[%add3A_26, %dma_wait3A] : memref<80x128xi32, #tpu.memory_space<vmem>> -> memref<1x128xi32, #tpu.memory_space<vmem>>
      %dma_wait3A_33 = tpu.memref_squeeze %dma_wait3A_32 : memref<1x128xi32, #tpu.memory_space<vmem>> -> memref<128xi32, #tpu.memory_space<vmem>>
      %dma_wait3A_34 = arith.constant 0 : i32
      %dma_wait3A_35 = arith.constant 0 : i32
      %dma_wait3A_36 = tpu.memref_slice %arg2[%dma_wait3A_34, %dma_wait3A_35] : memref<10000x128xf32, #tpu.memory_space<hbm>> -> memref<10000x128xf32, #tpu.memory_space<hbm>>
      tpu.wait_indirect_dma semaphore(%arg11 : memref<!tpu.dma_semaphore, #tpu.memory_space<semaphore_mem>>) src(%dma_wait3A_36 : memref<10000x128xf32, #tpu.memory_space<hbm>>) dst(%arg8 : memref<128x128xf32, #tpu.memory_space<vmem>>)
      %dma_start3A_37 = arith.constant 0 : i32
      %dma_start3A_38 = tpu.memref_slice %arg7[%add3A_26, %dma_start3A_37] : memref<80x128xi32, #tpu.memory_space<vmem>> -> memref<1x128xi32, #tpu.memory_space<vmem>>
      %dma_start3A_39 = tpu.memref_squeeze %dma_start3A_38 : memref<1x128xi32, #tpu.memory_space<vmem>> -> memref<128xi32, #tpu.memory_space<vmem>>
      %dma_start3A_40 = arith.constant 0 : i32
      %dma_start3A_41 = arith.constant 0 : i32
      %dma_start3A_42 = tpu.memref_slice %arg10[%dma_start3A_40, %dma_start3A_41] : memref<10240x128xf32, #tpu.memory_space<vmem_shared>> -> memref<10240x128xf32, #tpu.memory_space<vmem_shared>>
      tpu.enqueue_indirect_dma source(%arg8 : memref<128x128xf32, #tpu.memory_space<vmem>>) target(%dma_start3A_42 : memref<10240x128xf32, #tpu.memory_space<vmem_shared>>) offsets(%dma_start3A_39 : memref<128xi32, #tpu.memory_space<vmem>>) semaphore(%arg12 : memref<!tpu.dma_semaphore, #tpu.memory_space<semaphore_mem>>) {add = true}
      %dma_wait3A_43 = arith.constant 0 : i32
      %dma_wait3A_44 = tpu.memref_slice %arg7[%add3A_26, %dma_wait3A_43] : memref<80x128xi32, #tpu.memory_space<vmem>> -> memref<1x128xi32, #tpu.memory_space<vmem>>
      %dma_wait3A_45 = tpu.memref_squeeze %dma_wait3A_44 : memref<1x128xi32, #tpu.memory_space<vmem>> -> memref<128xi32, #tpu.memory_space<vmem>>
      %dma_wait3A_46 = arith.constant 0 : i32
      %dma_wait3A_47 = arith.constant 0 : i32
      %dma_wait3A_48 = tpu.memref_slice %arg10[%dma_wait3A_46, %dma_wait3A_47] : memref<10240x128xf32, #tpu.memory_space<vmem_shared>> -> memref<10240x128xf32, #tpu.memory_space<vmem_shared>>
      tpu.wait_indirect_dma semaphore(%arg12 : memref<!tpu.dma_semaphore, #tpu.memory_space<semaphore_mem>>) src(%arg8 : memref<128x128xf32, #tpu.memory_space<vmem>>) dst(%dma_wait3A_48 : memref<10240x128xf32, #tpu.memory_space<vmem_shared>>)
    }
    %scan3A_14 = arith.constant 80 : i32
    %barrier3A_15 = arith.constant 0 : index
    tpu.barrier barrier_id(%barrier3A_15)
    %lt3A = arith.constant 15 : i32
    %lt3A_16 = arith.cmpi slt, %arg1, %lt3A : i32
    %convert_element_type3A = arith.extui %lt3A_16 : i1 to i32
    %cond3A = arith.constant 0 : i32
    %cond3A_17 = arith.cmpi ne, %convert_element_type3A, %cond3A : i32
    scf.if %cond3A_17 {
      %mul3A_22 = arith.constant 640 : i32
      %mul3A_23 = arith.muli %arg1, %mul3A_22 : i32
      %mul3A_24 = arith.constant 640 : i32
      %mul3A_25 = arith.muli %arg1, %mul3A_24 : i32
      "tpu.region"() ({
        %run_scoped3A = tpu.sem_alloc : memref<!tpu.dma_semaphore, #tpu.memory_space<semaphore_mem>>
        %dma_start3A = arith.constant 0 : i32
        %dma_start3A_26 = tpu.memref_slice %arg5[%arg0, %mul3A_25, %dma_start3A] : memref<2x10000x128xf32, #tpu.memory_space<hbm>> -> memref<1x640x128xf32, #tpu.memory_space<hbm>>
        %dma_start3A_27 = tpu.memref_squeeze %dma_start3A_26 : memref<1x640x128xf32, #tpu.memory_space<hbm>> -> memref<640x128xf32, #tpu.memory_space<hbm>>
        %dma_start3A_28 = arith.constant 0 : i32
        %dma_start3A_29 = tpu.memref_slice %arg10[%mul3A_23, %dma_start3A_28] : memref<10240x128xf32, #tpu.memory_space<vmem_shared>> -> memref<640x128xf32, #tpu.memory_space<vmem_shared>>
        tpu.enqueue_dma source(%dma_start3A_29 : memref<640x128xf32, #tpu.memory_space<vmem_shared>>) target(%dma_start3A_27 : memref<640x128xf32, #tpu.memory_space<hbm>>) target_semaphore(%run_scoped3A : memref<!tpu.dma_semaphore, #tpu.memory_space<semaphore_mem>>)
        %dma_wait3A = arith.constant 0 : i32
        %dma_wait3A_30 = tpu.memref_slice %arg5[%arg0, %mul3A_25, %dma_wait3A] : memref<2x10000x128xf32, #tpu.memory_space<hbm>> -> memref<1x640x128xf32, #tpu.memory_space<hbm>>
        %dma_wait3A_31 = tpu.memref_squeeze %dma_wait3A_30 : memref<1x640x128xf32, #tpu.memory_space<hbm>> -> memref<640x128xf32, #tpu.memory_space<hbm>>
        %dma_wait3A_32 = arith.constant 0 : i32
        %dma_wait3A_33 = tpu.memref_slice %arg10[%mul3A_23, %dma_wait3A_32] : memref<10240x128xf32, #tpu.memory_space<vmem_shared>> -> memref<640x128xf32, #tpu.memory_space<vmem_shared>>
        tpu.wait_dma2 semaphore(%run_scoped3A : memref<!tpu.dma_semaphore, #tpu.memory_space<semaphore_mem>>) src(%dma_wait3A_33 : memref<640x128xf32, #tpu.memory_space<vmem_shared>>) dst(%dma_wait3A_31 : memref<640x128xf32, #tpu.memory_space<hbm>>)
        tpu.yield
      }) : () -> ()
    } else {
    }
    %eq3A = arith.constant 15 : i32
    %eq3A_18 = arith.cmpi eq, %arg1, %eq3A : i32
    %convert_element_type3A_19 = arith.extui %eq3A_18 : i1 to i32
    %cond3A_20 = arith.constant 0 : i32
    %cond3A_21 = arith.cmpi ne, %convert_element_type3A_19, %cond3A_20 : i32
    scf.if %cond3A_21 {
      "tpu.region"() ({
        %run_scoped3A = tpu.sem_alloc : memref<!tpu.dma_semaphore, #tpu.memory_space<semaphore_mem>>
        %dma_start3A = arith.constant 9600 : i32
        %dma_start3A_22 = arith.constant 0 : i32
        %dma_start3A_23 = tpu.memref_slice %arg5[%arg0, %dma_start3A, %dma_start3A_22] : memref<2x10000x128xf32, #tpu.memory_space<hbm>> -> memref<1x400x128xf32, #tpu.memory_space<hbm>>
        %dma_start3A_24 = tpu.memref_squeeze %dma_start3A_23 : memref<1x400x128xf32, #tpu.memory_space<hbm>> -> memref<400x128xf32, #tpu.memory_space<hbm>>
        %dma_start3A_25 = arith.constant 9600 : i32
        %dma_start3A_26 = arith.constant 0 : i32
        %dma_start3A_27 = tpu.memref_slice %arg10[%dma_start3A_25, %dma_start3A_26] : memref<10240x128xf32, #tpu.memory_space<vmem_shared>> -> memref<400x128xf32, #tpu.memory_space<vmem_shared>>
        tpu.enqueue_dma source(%dma_start3A_27 : memref<400x128xf32, #tpu.memory_space<vmem_shared>>) target(%dma_start3A_24 : memref<400x128xf32, #tpu.memory_space<hbm>>) target_semaphore(%run_scoped3A : memref<!tpu.dma_semaphore, #tpu.memory_space<semaphore_mem>>)
        %dma_wait3A = arith.constant 9600 : i32
        %dma_wait3A_28 = arith.constant 0 : i32
        %dma_wait3A_29 = tpu.memref_slice %arg5[%arg0, %dma_wait3A, %dma_wait3A_28] : memref<2x10000x128xf32, #tpu.memory_space<hbm>> -> memref<1x400x128xf32, #tpu.memory_space<hbm>>
        %dma_wait3A_30 = tpu.memref_squeeze %dma_wait3A_29 : memref<1x400x128xf32, #tpu.memory_space<hbm>> -> memref<400x128xf32, #tpu.memory_space<hbm>>
        %dma_wait3A_31 = arith.constant 9600 : i32
        %dma_wait3A_32 = arith.constant 0 : i32
        %dma_wait3A_33 = tpu.memref_slice %arg10[%dma_wait3A_31, %dma_wait3A_32] : memref<10240x128xf32, #tpu.memory_space<vmem_shared>> -> memref<400x128xf32, #tpu.memory_space<vmem_shared>>
        tpu.wait_dma2 semaphore(%run_scoped3A : memref<!tpu.dma_semaphore, #tpu.memory_space<semaphore_mem>>) src(%dma_wait3A_33 : memref<400x128xf32, #tpu.memory_space<vmem_shared>>) dst(%dma_wait3A_30 : memref<400x128xf32, #tpu.memory_space<hbm>>)
        tpu.yield
      }) : () -> ()
    } else {
    }
    return
  }
}

module attributes {stable_mosaic.version = 14 : i64} {
  func.func @body(%arg0: i32, %arg1: memref<2000x128xf32, #tpu.memory_space<vmem>>, %arg2: memref<128x128xf32, #tpu.memory_space<vmem>>, %arg3: memref<2000x128xf32, #tpu.memory_space<vmem>>) attributes {dimension_semantics = [#tpu.dimension_semantics<arbitrary>], iteration_bounds = array<i64: 5>, scalar_prefetch = 0 : i64, scratch_operands = 0 : i64, tpu.core_type = #tpu.core_type<tc>, window_params = [{transform_indices = @transform_0, window_bounds = array<i64: 2000, 128>}, {pipeline_mode = #tpu.pipeline_mode<synchronous>, transform_indices = @transform_1, window_bounds = array<i64: 128, 128>}, {transform_indices = @transform_2, window_bounds = array<i64: 2000, 128>}]} {
    %get3A = arith.constant 0 : index
    %get3A_0 = arith.constant 0 : index
    %get3A_1 = vector.load %arg1[%get3A, %get3A_0] : memref<2000x128xf32, #tpu.memory_space<vmem>>, vector<2000x128xf32>
    %get3A_2 = arith.constant 0 : index
    %get3A_3 = arith.constant 0 : index
    %get3A_4 = vector.load %arg2[%get3A_2, %get3A_3] : memref<128x128xf32, #tpu.memory_space<vmem>>, vector<128x128xf32>
    %dot_general3A = arith.constant dense<0.000000e+00> : vector<2000x128xf32>
    %dot_general3A_5 = tpu.matmul %get3A_1, %get3A_4, %dot_general3A {dimension_numbers = #tpu.dot_dimension_numbers<[1], [0], [0], [1], [0, 0, 1, 1], [], []>, transpose_lhs_hint = false} : vector<2000x128xf32>, vector<128x128xf32>, vector<2000x128xf32> -> vector<2000x128xf32>
    %swap3A = arith.constant 0 : index
    %swap3A_6 = arith.constant 0 : index
    %swap3A_7 = vector.load %arg3[%swap3A, %swap3A_6] : memref<2000x128xf32, #tpu.memory_space<vmem>>, vector<2000x128xf32>
    tpu.vector_store %arg3[%swap3A, %swap3A_6], %dot_general3A_5 {strides = array<i32>} : memref<2000x128xf32, #tpu.memory_space<vmem>>, vector<2000x128xf32>,
    return
  }
  func.func @transform_0(%arg0: i32) -> (i32, i32) {
    %c0_i32 = arith.constant 0 : i32
    %c0_i32_0 = arith.constant 0 : i32
    return %arg0, %c0_i32 : i32, i32
  }
  func.func @transform_1(%arg0: i32) -> (i32, i32) {
    %c0_i32 = arith.constant 0 : i32
    %c0_i32_0 = arith.constant 0 : i32
    %c0_i32_1 = arith.constant 0 : i32
    return %c0_i32, %c0_i32_0 : i32, i32
  }
  func.func @transform_2(%arg0: i32) -> (i32, i32) {
    %c0_i32 = arith.constant 0 : i32
    %c0_i32_0 = arith.constant 0 : i32
    return %arg0, %c0_i32 : i32, i32
  }
}

module attributes {stable_mosaic.version = 14 : i64} {
  func.func @body(%arg0: i32, %arg1: memref<2x2000x128xf32, #tpu.memory_space<vmem>>, %arg2: memref<2000x128xf32, #tpu.memory_space<vmem>>, %arg3: memref<2000x128xf32, #tpu.memory_space<vmem>>, %arg4: memref<8x128xf32, #tpu.memory_space<vmem>>, %arg5: memref<128x128xf32, #tpu.memory_space<vmem>>, %arg6: memref<2000x128xf32, #tpu.memory_space<vmem>>) attributes {dimension_semantics = [#tpu.dimension_semantics<arbitrary>], iteration_bounds = array<i64: 5>, scalar_prefetch = 0 : i64, scratch_operands = 0 : i64, tpu.core_type = #tpu.core_type<tc>, window_params = [{transform_indices = @transform_0, window_bounds = array<i64: 2, 2000, 128>}, {transform_indices = @transform_1, window_bounds = array<i64: 2000, 128>}, {transform_indices = @transform_2, window_bounds = array<i64: 2000, 128>}, {pipeline_mode = #tpu.pipeline_mode<synchronous>, transform_indices = @transform_3, window_bounds = array<i64: 8, 128>}, {pipeline_mode = #tpu.pipeline_mode<synchronous>, transform_indices = @transform_4, window_bounds = array<i64: 128, 128>}, {transform_indices = @transform_5, window_bounds = array<i64: 2000, 128>}]} {
    %get3A = arith.constant 0 : index
    %get3A_0 = arith.constant 0 : index
    %get3A_1 = arith.constant 0 : index
    %get3A_2 = vector.load %arg1[%get3A, %get3A_0, %get3A_1] : memref<2x2000x128xf32, #tpu.memory_space<vmem>>, vector<1x2000x128xf32>
    %get3A_3 = vector.shape_cast %get3A_2 : vector<1x2000x128xf32> to vector<2000x128xf32>
    %get3A_4 = arith.constant 1 : index
    %get3A_5 = arith.constant 0 : index
    %get3A_6 = arith.constant 0 : index
    %get3A_7 = vector.load %arg1[%get3A_4, %get3A_5, %get3A_6] : memref<2x2000x128xf32, #tpu.memory_space<vmem>>, vector<1x2000x128xf32>
    %get3A_8 = vector.shape_cast %get3A_7 : vector<1x2000x128xf32> to vector<2000x128xf32>
    %add3A = arith.addf %get3A_3, %get3A_8 : vector<2000x128xf32>
    %get3A_9 = arith.constant 0 : index
    %get3A_10 = arith.constant 0 : index
    %get3A_11 = vector.load %arg3[%get3A_9, %get3A_10] : memref<2000x128xf32, #tpu.memory_space<vmem>>, vector<2000x128xf32>
    %get3A_12 = arith.constant 0 : index
    %get3A_13 = arith.constant 0 : index
    %get3A_14 = vector.load %arg2[%get3A_12, %get3A_13] : memref<2000x128xf32, #tpu.memory_space<vmem>>, vector<2000x128xf32>
    %add3A_15 = arith.addf %add3A, %get3A_14 : vector<2000x128xf32>
    %mul3A = arith.mulf %get3A_11, %add3A_15 : vector<2000x128xf32>
    %get3A_16 = arith.constant 0 : index
    %get3A_17 = arith.constant 0 : index
    %get3A_18 = vector.load %arg4[%get3A_16, %get3A_17] : memref<8x128xf32, #tpu.memory_space<vmem>>, vector<1x128xf32>
    %add3A_19 = vector.broadcast %get3A_18 : vector<1x128xf32> to vector<2000x128xf32>
    %add3A_20 = arith.addf %mul3A, %add3A_19 : vector<2000x128xf32>
    %max3A = arith.constant 0.000000e+00 : f32
    %max3A_21 = vector.broadcast %max3A : f32 to vector<2000x128xf32>
    %max3A_22 = arith.maximumf %add3A_20, %max3A_21 : vector<2000x128xf32>
    %get3A_23 = arith.constant 0 : index
    %get3A_24 = arith.constant 0 : index
    %get3A_25 = vector.load %arg5[%get3A_23, %get3A_24] : memref<128x128xf32, #tpu.memory_space<vmem>>, vector<128x128xf32>
    %dot_general3A = arith.constant dense<0.000000e+00> : vector<2000x128xf32>
    %dot_general3A_26 = tpu.matmul %max3A_22, %get3A_25, %dot_general3A {dimension_numbers = #tpu.dot_dimension_numbers<[1], [0], [0], [1], [0, 0, 1, 1], [], []>, transpose_lhs_hint = false} : vector<2000x128xf32>, vector<128x128xf32>, vector<2000x128xf32> -> vector<2000x128xf32>
    %mul3A_27 = arith.mulf %dot_general3A_26, %get3A_11 : vector<2000x128xf32>
    %swap3A = arith.constant 0 : index
    %swap3A_28 = arith.constant 0 : index
    %swap3A_29 = vector.load %arg6[%swap3A, %swap3A_28] : memref<2000x128xf32, #tpu.memory_space<vmem>>, vector<2000x128xf32>
    tpu.vector_store %arg6[%swap3A, %swap3A_28], %mul3A_27 {strides = array<i32>} : memref<2000x128xf32, #tpu.memory_space<vmem>>, vector<2000x128xf32>,
    return
  }
  func.func @transform_0(%arg0: i32) -> (i32, i32, i32) {
    %c0_i32 = arith.constant 0 : i32
    %c0_i32_0 = arith.constant 0 : i32
    %c0_i32_1 = arith.constant 0 : i32
    return %c0_i32, %arg0, %c0_i32_0 : i32, i32, i32
  }
  func.func @transform_1(%arg0: i32) -> (i32, i32) {
    %c0_i32 = arith.constant 0 : i32
    %c0_i32_0 = arith.constant 0 : i32
    return %arg0, %c0_i32 : i32, i32
  }
  func.func @transform_2(%arg0: i32) -> (i32, i32) {
    %c0_i32 = arith.constant 0 : i32
    %c0_i32_0 = arith.constant 0 : i32
    return %arg0, %c0_i32 : i32, i32
  }
  func.func @transform_3(%arg0: i32) -> (i32, i32) {
    %c0_i32 = arith.constant 0 : i32
    %c0_i32_0 = arith.constant 0 : i32
    %c0_i32_1 = arith.constant 0 : i32
    return %c0_i32, %c0_i32_0 : i32, i32
  }
  func.func @transform_4(%arg0: i32) -> (i32, i32) {
    %c0_i32 = arith.constant 0 : i32
    %c0_i32_0 = arith.constant 0 : i32
    %c0_i32_1 = arith.constant 0 : i32
    return %c0_i32, %c0_i32_0 : i32, i32
  }
  func.func @transform_5(%arg0: i32) -> (i32, i32) {
    %c0_i32 = arith.constant 0 : i32
    %c0_i32_0 = arith.constant 0 : i32
    return %arg0, %c0_i32 : i32, i32
  }
}

module attributes {stable_mosaic.version = 14 : i64} {
  func.func @body(%arg0: i32, %arg1: memref<2000x16xf32, #tpu.memory_space<vmem>>, %arg2: memref<2000x128xf32, #tpu.memory_space<vmem>>, %arg3: memref<2000x128xf32, #tpu.memory_space<vmem>>, %arg4: memref<2000x128xf32, #tpu.memory_space<vmem>>) attributes {dimension_semantics = [#tpu.dimension_semantics<arbitrary>], iteration_bounds = array<i64: 5>, scalar_prefetch = 0 : i64, scratch_operands = 0 : i64, tpu.core_type = #tpu.core_type<tc>, window_params = [{transform_indices = @transform_0, window_bounds = array<i64: 2000, 16>}, {transform_indices = @transform_1, window_bounds = array<i64: 2000, 128>}, {transform_indices = @transform_2, window_bounds = array<i64: 2000, 128>}, {transform_indices = @transform_3, window_bounds = array<i64: 2000, 128>}]} {
    %get3A = arith.constant 0 : index
    %get3A_0 = arith.constant 0 : index
    %get3A_1 = vector.load %arg1[%get3A, %get3A_0] : memref<2000x16xf32, #tpu.memory_space<vmem>>, vector<2000x1xf32>
    %broadcast_in_dim3A = vector.shape_cast %get3A_1 : vector<2000x1xf32> to vector<2000x1xf32>
    %broadcast_in_dim3A_2 = vector.broadcast %broadcast_in_dim3A : vector<2000x1xf32> to vector<2000x128xf32>
    %swap3A = arith.constant 0 : index
    %swap3A_3 = arith.constant 0 : index
    %swap3A_4 = vector.load %arg3[%swap3A, %swap3A_3] : memref<2000x128xf32, #tpu.memory_space<vmem>>, vector<2000x128xf32>
    tpu.vector_store %arg3[%swap3A, %swap3A_3], %broadcast_in_dim3A_2 {strides = array<i32>} : memref<2000x128xf32, #tpu.memory_space<vmem>>, vector<2000x128xf32>,
    %get3A_5 = arith.constant 0 : index
    %get3A_6 = arith.constant 0 : index
    %get3A_7 = vector.load %arg2[%get3A_5, %get3A_6] : memref<2000x128xf32, #tpu.memory_space<vmem>>, vector<2000x128xf32>
    %mul3A = arith.mulf %get3A_7, %broadcast_in_dim3A_2 : vector<2000x128xf32>
    %swap3A_8 = arith.constant 0 : index
    %swap3A_9 = arith.constant 0 : index
    %swap3A_10 = vector.load %arg4[%swap3A_8, %swap3A_9] : memref<2000x128xf32, #tpu.memory_space<vmem>>, vector<2000x128xf32>
    tpu.vector_store %arg4[%swap3A_8, %swap3A_9], %mul3A {strides = array<i32>} : memref<2000x128xf32, #tpu.memory_space<vmem>>, vector<2000x128xf32>,
    return
  }
  func.func @transform_0(%arg0: i32) -> (i32, i32) {
    %c0_i32 = arith.constant 0 : i32
    %c0_i32_0 = arith.constant 0 : i32
    return %arg0, %c0_i32 : i32, i32
  }
  func.func @transform_1(%arg0: i32) -> (i32, i32) {
    %c0_i32 = arith.constant 0 : i32
    %c0_i32_0 = arith.constant 0 : i32
    return %arg0, %c0_i32 : i32, i32
  }
  func.func @transform_2(%arg0: i32) -> (i32, i32) {
    %c0_i32 = arith.constant 0 : i32
    %c0_i32_0 = arith.constant 0 : i32
    return %arg0, %c0_i32 : i32, i32
  }
  func.func @transform_3(%arg0: i32) -> (i32, i32) {
    %c0_i32 = arith.constant 0 : i32
    %c0_i32_0 = arith.constant 0 : i32
    return %arg0, %c0_i32 : i32, i32
  }
}

module attributes {stable_mosaic.version = 14 : i64} {
  func.func @body(%arg0: i32, %arg1: memref<2x2000x128xf32, #tpu.memory_space<vmem>>, %arg2: memref<2000x128xf32, #tpu.memory_space<vmem>>, %arg3: memref<2000x128xf32, #tpu.memory_space<vmem>>, %arg4: memref<8x128xf32, #tpu.memory_space<vmem>>, %arg5: memref<128x128xf32, #tpu.memory_space<vmem>>, %arg6: memref<8x128xf32, #tpu.memory_space<vmem>>, %arg7: memref<2000x128xf32, #tpu.memory_space<vmem>>) attributes {dimension_semantics = [#tpu.dimension_semantics<arbitrary>], iteration_bounds = array<i64: 5>, scalar_prefetch = 0 : i64, scratch_operands = 0 : i64, tpu.core_type = #tpu.core_type<tc>, window_params = [{transform_indices = @transform_0, window_bounds = array<i64: 2, 2000, 128>}, {transform_indices = @transform_1, window_bounds = array<i64: 2000, 128>}, {transform_indices = @transform_2, window_bounds = array<i64: 2000, 128>}, {pipeline_mode = #tpu.pipeline_mode<synchronous>, transform_indices = @transform_3, window_bounds = array<i64: 8, 128>}, {pipeline_mode = #tpu.pipeline_mode<synchronous>, transform_indices = @transform_4, window_bounds = array<i64: 128, 128>}, {pipeline_mode = #tpu.pipeline_mode<synchronous>, transform_indices = @transform_5, window_bounds = array<i64: 8, 128>}, {transform_indices = @transform_6, window_bounds = array<i64: 2000, 128>}]} {
    %get3A = arith.constant 0 : index
    %get3A_0 = arith.constant 0 : index
    %get3A_1 = arith.constant 0 : index
    %get3A_2 = vector.load %arg1[%get3A, %get3A_0, %get3A_1] : memref<2x2000x128xf32, #tpu.memory_space<vmem>>, vector<1x2000x128xf32>
    %get3A_3 = vector.shape_cast %get3A_2 : vector<1x2000x128xf32> to vector<2000x128xf32>
    %get3A_4 = arith.constant 1 : index
    %get3A_5 = arith.constant 0 : index
    %get3A_6 = arith.constant 0 : index
    %get3A_7 = vector.load %arg1[%get3A_4, %get3A_5, %get3A_6] : memref<2x2000x128xf32, #tpu.memory_space<vmem>>, vector<1x2000x128xf32>
    %get3A_8 = vector.shape_cast %get3A_7 : vector<1x2000x128xf32> to vector<2000x128xf32>
    %add3A = arith.addf %get3A_3, %get3A_8 : vector<2000x128xf32>
    %get3A_9 = arith.constant 0 : index
    %get3A_10 = arith.constant 0 : index
    %get3A_11 = vector.load %arg3[%get3A_9, %get3A_10] : memref<2000x128xf32, #tpu.memory_space<vmem>>, vector<2000x128xf32>
    %get3A_12 = arith.constant 0 : index
    %get3A_13 = arith.constant 0 : index
    %get3A_14 = vector.load %arg2[%get3A_12, %get3A_13] : memref<2000x128xf32, #tpu.memory_space<vmem>>, vector<2000x128xf32>
    %add3A_15 = arith.addf %add3A, %get3A_14 : vector<2000x128xf32>
    %mul3A = arith.mulf %get3A_11, %add3A_15 : vector<2000x128xf32>
    %get3A_16 = arith.constant 0 : index
    %get3A_17 = arith.constant 0 : index
    %get3A_18 = vector.load %arg4[%get3A_16, %get3A_17] : memref<8x128xf32, #tpu.memory_space<vmem>>, vector<1x128xf32>
    %add3A_19 = vector.broadcast %get3A_18 : vector<1x128xf32> to vector<2000x128xf32>
    %add3A_20 = arith.addf %mul3A, %add3A_19 : vector<2000x128xf32>
    %max3A = arith.constant 0.000000e+00 : f32
    %max3A_21 = vector.broadcast %max3A : f32 to vector<2000x128xf32>
    %max3A_22 = arith.maximumf %add3A_20, %max3A_21 : vector<2000x128xf32>
    %get3A_23 = arith.constant 0 : index
    %get3A_24 = arith.constant 0 : index
    %get3A_25 = vector.load %arg5[%get3A_23, %get3A_24] : memref<128x128xf32, #tpu.memory_space<vmem>>, vector<128x128xf32>
    %dot_general3A = arith.constant dense<0.000000e+00> : vector<2000x128xf32>
    %dot_general3A_26 = tpu.matmul %max3A_22, %get3A_25, %dot_general3A {dimension_numbers = #tpu.dot_dimension_numbers<[1], [0], [0], [1], [0, 0, 1, 1], [], []>, transpose_lhs_hint = false} : vector<2000x128xf32>, vector<128x128xf32>, vector<2000x128xf32> -> vector<2000x128xf32>
    %get3A_27 = arith.constant 0 : index
    %get3A_28 = arith.constant 0 : index
    %get3A_29 = vector.load %arg6[%get3A_27, %get3A_28] : memref<8x128xf32, #tpu.memory_space<vmem>>, vector<1x128xf32>
    %add3A_30 = vector.broadcast %get3A_29 : vector<1x128xf32> to vector<2000x128xf32>
    %add3A_31 = arith.addf %dot_general3A_26, %add3A_30 : vector<2000x128xf32>
    %logistic3A = arith.negf %add3A_31 : vector<2000x128xf32>
    %logistic3A_32 = math.exp %logistic3A : vector<2000x128xf32>
    %logistic3A_33 = arith.constant 1.000000e+00 : f32
    %logistic3A_34 = vector.broadcast %logistic3A_33 : f32 to vector<2000x128xf32>
    %logistic3A_35 = arith.addf %logistic3A_34, %logistic3A_32 : vector<2000x128xf32>
    %logistic3A_36 = arith.divf %logistic3A_34, %logistic3A_35 : vector<2000x128xf32>
    %swap3A = arith.constant 0 : index
    %swap3A_37 = arith.constant 0 : index
    %swap3A_38 = vector.load %arg7[%swap3A, %swap3A_37] : memref<2000x128xf32, #tpu.memory_space<vmem>>, vector<2000x128xf32>
    tpu.vector_store %arg7[%swap3A, %swap3A_37], %logistic3A_36 {strides = array<i32>} : memref<2000x128xf32, #tpu.memory_space<vmem>>, vector<2000x128xf32>,
    return
  }
  func.func @transform_0(%arg0: i32) -> (i32, i32, i32) {
    %c0_i32 = arith.constant 0 : i32
    %c0_i32_0 = arith.constant 0 : i32
    %c0_i32_1 = arith.constant 0 : i32
    return %c0_i32, %arg0, %c0_i32_0 : i32, i32, i32
  }
  func.func @transform_1(%arg0: i32) -> (i32, i32) {
    %c0_i32 = arith.constant 0 : i32
    %c0_i32_0 = arith.constant 0 : i32
    return %arg0, %c0_i32 : i32, i32
  }
  func.func @transform_2(%arg0: i32) -> (i32, i32) {
    %c0_i32 = arith.constant 0 : i32
    %c0_i32_0 = arith.constant 0 : i32
    return %arg0, %c0_i32 : i32, i32
  }
  func.func @transform_3(%arg0: i32) -> (i32, i32) {
    %c0_i32 = arith.constant 0 : i32
    %c0_i32_0 = arith.constant 0 : i32
    %c0_i32_1 = arith.constant 0 : i32
    return %c0_i32, %c0_i32_0 : i32, i32
  }
  func.func @transform_4(%arg0: i32) -> (i32, i32) {
    %c0_i32 = arith.constant 0 : i32
    %c0_i32_0 = arith.constant 0 : i32
    %c0_i32_1 = arith.constant 0 : i32
    return %c0_i32, %c0_i32_0 : i32, i32
  }
  func.func @transform_5(%arg0: i32) -> (i32, i32) {
    %c0_i32 = arith.constant 0 : i32
    %c0_i32_0 = arith.constant 0 : i32
    %c0_i32_1 = arith.constant 0 : i32
    return %c0_i32, %c0_i32_0 : i32, i32
  }
  func.func @transform_6(%arg0: i32) -> (i32, i32) {
    %c0_i32 = arith.constant 0 : i32
    %c0_i32_0 = arith.constant 0 : i32
    return %arg0, %c0_i32 : i32, i32
  }
}

</mosaic_0001>

<sc_bundles>
// kernel: kernel.12.cloned.1.call-start
scs
__scs_entry_jumppad:
0x0: {  	(pc) =	sbr.rel $0x88, $3  }
0x1: {  	(tag) =	ssettag $0x0;
	lr =	simm.s32 $0x1  }
0x2: {  	[smem:$0x3F99] =	sst lr;
	_ =	strace $0xD0000000  }
0x3: {  	_ = 	snop  }
0x4: {  	_ = 	snop  }
0x5: {  	_ = 	snop  }
0x6: {  	_ = 	snop  }
0x7: {  	_ = 	snop  }
__scs_overlays_trampoline_lowered:
0x8: {  	[smem:$0x3FA8] =	sst s0  }
0x9: {  	[smem:$0x3FA9] =	sst s1  }
0xa: {  	[smem:$0x3FAA] =	sst s2  }
0xb: {  	[smem:$0x3FAB] =	sst s3  }
0xc: {  	[smem:$0x3FAC] =	sst s4  }
0xd: {  	[smem:$0x3FAD] =	sst s5  }
0xe: {  	[smem:$0x3FAE] =	sst s6  }
0xf: {  	[smem:$0x3FAF] =	sst s7  }
0x10: {  	[smem:$0x3FB0] =	sst s8  }
0x11: {  	[smem:$0x3FB1] =	sst s9;
	s0 =	simm.s32 @!p0 $0x0  }
0x12: {  	s1 =	sld [smem:$0x3F97];
	s0 =	simm.s32 @p0 $0x1  }
0x13: {  	[smem:$0x3FB2] =	sst s0;
	s0 =	simm.s32 @!p1 $0x0  }
0x14: {  	s2 =	sld [smem:$0x3F96];
	s0 =	simm.s32 @p1 $0x1  }
0x15: {  	[smem:$0x3FB3] =	sst s0;
	s0 =	simm.s32 @!p2 $0x0  }
0x16: {  	s3 =	sld [smem:$0x3FDB];
	s0 =	simm.s32 @p2 $0x1  }
0x17: {  	s4 =	simm.s32 $0x1BF5;
	[smem:$0x3FB5] =	sst s0  }
0x18: {  	s0 =	sld [smem:$0x3F98];
	_ =	swait.ge [sflag:s4], $0x0  }
0x19: {  	s7 =	sld [smem:$0x3F99]  }
0x1a: {  	s8 =	sadd.s32 $0xFFFFE003, lr  }
0x1b: {  	s9 =	sadd.s32 $0xFFFFFEF7, lr;
	s5 =	simm.s32 $0xFFFFFFFF;
	p2 =	slt.u32 s8, $0xFFFFF086  }
0x1c: {  	p1 =	slt.u32 s9, $0xF7A;
	s5 =	simm.s32 @!p2 $0x0  }
0x1d: {  	s5 =	simm.s32 @p1 $0x1;
	p0 =	seq.s32 s7, s2  }
0x1e: {  	s7 =	smul.u32 @!p0 $0xF7A, s2;
	p2 =	seq.s32 @!p0 s5, $0x0  }
0x1f: {  	s9 =	smul.u32 $0xF7A, s1;
	s8 =	simm.s32 @!p0 $0x1BF5;
	p2 =	por !p2, p0  }
0x20: {  	[sflag:s8] =	ssyncset.s32 @!p0 $0xFFFFF086;
	s6 =	sadd.s32 @!p0 s3, s7;
	s7 =	simm.s32 @!p0 $0x108  }
0x21: {  	s3 =	sadd.s32 s3, s9;
	s6 =	sadd.s32 @!p0 $0x88, s6;
	s7 =	simm.s32 @p2 $0x1082  }
0x22: {  	[simem:s7], [sflag:s8] =	dma.local @!p0 [hbm:s6], $0xF7A  }
0x23: {  	s9 =	sor.u32 $0xD0000000, s2;
	s6 =	simm.s32 $0x108;
	_ =	swait.ge @!p0 [sflag:s8], $0x0  }
0x24: {  	s3 =	sadd.s32 $0x88, s3;
	s6 =	simm.s32 @!p1 $0x1082;
	[sflag:s4] =	ssyncset.s32 $0xFFFFF086  }
0x25: {  	[simem:s6], [sflag:s4] =	dma.local [hbm:s3], $0xF7A  }
0x26: {  	[smem:$0x3F99] =	sst s1;
	(tag) =	ssettag s2;
	_ =	strace s9  }
0x27: {  	s1 =	sld [smem:$0x3FA9]  }
0x28: {  	s2 =	sld [smem:$0x3FAA]  }
0x29: {  	s4 =	sld [smem:$0x3FAC]  }
0x2a: {  	p0 =	seq.s32 s5, $0x0;
	s5 =	sld [smem:$0x3FAD]  }
0x2b: {  	s6 =	sld [smem:$0x3FAE]  }
0x2c: {  	s7 =	sld [smem:$0x3FAF]  }
0x2d: {  	s3 =	simm.s32 $0x108;
	s8 =	sld [smem:$0x3FB0]  }
0x2e: {  	s3 =	simm.s32 @!p0 $0x1082;
	s9 =	sld [smem:$0x3FB1]  }
0x2f: {  	lr =	sadd.s32 s0, s3;
	s0 =	sld [smem:$0x3FA8]  }
0x30: {  	s3 =	sld [smem:$0x3FAB]  }
0x31: {  	[smem:$0x3FB4] =	sst s10  }
0x32: {  	s10 =	sld [smem:$0x3FB2];
	_ =	sdelay $0x3  }
0x33: {  	p0 =	seq.s32 s10, $0x1;
	s10 =	sld [smem:$0x3FB4];
	_ =	sdelay $0x3  }
0x34: {  	[smem:$0x3FB4] =	sst s10  }
0x35: {  	s10 =	sld [smem:$0x3FB3];
	_ =	sdelay $0x3  }
0x36: {  	p1 =	seq.s32 s10, $0x1;
	s10 =	sld [smem:$0x3FB4];
	_ =	sdelay $0x3  }
0x37: {  	[smem:$0x3FB4] =	sst s10  }
0x38: {  	s10 =	sld [smem:$0x3FB5]  }
0x39: {  	_ = 	snop;
	(pc) =	sbr.ind lr, $3  }
0x3a: {  	_ = 	snop  }
0x3b: {  	_ = 	snop  }
0x3c: {  	p2 =	seq.s32 s10, $0x1;
	s10 =	sld [smem:$0x3FB4]  }
0x3d: {  	_ =	shalt  }
0x3e: {  	_ =	shalt  }
0x3f: {  	_ =	shalt  }
0x40: {  	_ =	shalt  }
0x41: {  	_ =	shalt  }
0x42: {  	_ =	shalt  }
0x43: {  	_ =	shalt  }
0x44: {  	_ =	shalt  }
0x45: {  	_ =	shalt  }
0x46: {  	_ =	shalt  }
0x47: {  	_ =	shalt  }
0x48: {  	_ =	shalt  }
0x49: {  	_ =	shalt  }
0x4a: {  	_ =	shalt  }
0x4b: {  	_ =	shalt  }
0x4c: {  	_ =	shalt  }
0x4d: {  	_ =	shalt  }
0x4e: {  	_ =	shalt  }
0x4f: {  	_ =	shalt  }
0x50: {  	_ =	shalt  }
0x51: {  	_ =	shalt  }
0x52: {  	_ =	shalt  }
0x53: {  	_ =	shalt  }
0x54: {  	_ =	shalt  }
0x55: {  	_ =	shalt  }
0x56: {  	_ =	shalt  }
0x57: {  	_ =	shalt  }
0x58: {  	_ =	shalt  }
0x59: {  	_ =	shalt  }
0x5a: {  	_ =	shalt  }
0x5b: {  	_ =	shalt  }
0x5c: {  	_ =	shalt  }
0x5d: {  	_ =	shalt  }
0x5e: {  	_ =	shalt  }
0x5f: {  	_ =	shalt  }
0x60: {  	_ =	shalt  }
0x61: {  	_ =	shalt  }
0x62: {  	_ =	shalt  }
0x63: {  	_ =	shalt  }
0x64: {  	_ =	shalt  }
0x65: {  	_ =	shalt  }
0x66: {  	_ =	shalt  }
0x67: {  	_ =	shalt  }
0x68: {  	_ =	shalt  }
0x69: {  	_ =	shalt  }
0x6a: {  	_ =	shalt  }
0x6b: {  	_ =	shalt  }
0x6c: {  	_ =	shalt  }
0x6d: {  	_ =	shalt  }
0x6e: {  	_ =	shalt  }
0x6f: {  	_ =	shalt  }
0x70: {  	_ =	shalt  }
0x71: {  	_ =	shalt  }
0x72: {  	_ =	shalt  }
0x73: {  	_ =	shalt  }
0x74: {  	_ =	shalt  }
0x75: {  	_ =	shalt  }
0x76: {  	_ =	shalt  }
0x77: {  	_ =	shalt  }
0x78: {  	_ =	shalt  }
0x79: {  	_ =	shalt  }
0x7a: {  	_ =	shalt  }
0x7b: {  	_ =	shalt  }
0x7c: {  	_ =	shalt  }
0x7d: {  	_ =	shalt  }
0x7e: {  	_ =	shalt  }
0x7f: {  	_ =	shalt  }
0x80: {  	_ =	shalt  }
0x81: {  	_ =	shalt  }
0x82: {  	_ =	shalt  }
0x83: {  	_ =	shalt  }
0x84: {  	_ =	shalt  }
0x85: {  	_ =	shalt  }
0x86: {  	_ =	shalt  }
0x87: {  	_ =	shalt  }
.Lfunc_end0:
.L_simem_size_0:
called_computation.1_lowered:
.L_overlay_start_0:
0x88: {  	s2 =	sld [smem:$0x3FD9]  }
0x89: {  	s3 =	sld [smem:$0x3FFE];
	_ =	sdelay $0x1  }
0x8a: {  	s1 =	srdreg.scid  }
0x8b: {  	s0 =	sand.u32 $0x1, s1  }
0x8c: {  	s16 =	sshll.u32 s0, $0xA;
	s2 =	sadd.s32 s3, s2  }
0x8d: {  	s2 =	sadd.s32 s2, s16  }
0x8e: {  	[smem:$0x3FC0] =	sst s2  }
0x8f: {  	_ = 	snop  }
0x90: {  	(tm) =	ssettm $0x1  }
0x91: {  	s17 =	sld [smem:$0x3FFB];
	_ =	sdelay $0x3  }
0x92: {  	_ =	strace s17  }
0x93: {  	s2 =	sld [smem:$0x3FFC];
	_ =	sdelay $0x3  }
0x94: {  	_ =	strace s2  }
0x95: {  	s2 =	sld [smem:$0x3FFD];
	_ =	sdelay $0x3  }
0x96: {  	_ =	strace s2  }
0x97: {  	_ =	strace $0x8FFFFFFF  }
0x98: {  	s18 =	sld [smem:$0x3FDB];
	_ =	sdelay $0x1  }
0x99: {  	s19 =	simm.s32 $_scs_section_size  }
0x9a: {  	s4 =	simm.s32 $_size__tile_overlayer_lowered;
	s5 =	simm.s32 $_tile_overlayer_lowered  }
0x9b: {  	s22 =	simm.s32 $0x1BFF;
	s21 =	sshll.u32 s5, $0x1;
	s2 =	sadd.s32 s19, s18  }
0x9c: {  	s6 =	simm.s32 $0x0;
	s20 =	sshll.u32 s4, $0x1;
	s4 =	sadd.s32 s21, s2  }
0x9d: {  	[timem:s6], [sflag:s22] =	dma.local [hbm:s4], s20  }
0x9e: {  	_ =	swait.ge [sflag:s22], s20  }
0x9f: {  	s3 =	ssub.s32 $0x0, s20;
	[sflag:s22] =	ssyncset.done $0x0  }
0xa0: {  	[sflag:s22] =	ssyncadd.s32 s3;
	_ =	sdelay $0x1  }
0xa1: {  	s23 =	simm.s32 $0x1B8B  }
0xa2: {  	_ =	swait.ge [sflag:s23], $0x1  }
0xa3: {  	[sflag:s23] =	ssyncset.done $0x0  }
0xa4: {  	s25 =	simm.s32 $0x1B8E;
	s24 =	sld [smem:$0x3FFE];
	[sflag:s23] =	ssyncadd.s32 $0xFFFFFFFF  }
0xa5: {  	s26 =	simm.s32 $execute0_lowered;
	[smem:$0x3FD2] =	sst s25  }
0xa6: {  	s4 =	sshll.u32 s26, $0x1;
	_ =	strace $0x80000049;
	[dreg:$0x1] =	wrdreg $0xFFFFFFFF  }
0xa7: {  	s28 =	simm.s32 $_size_execute0_lowered;
	s2 =	sadd.s32 s2, s4;
	[dreg:$0x0] =	wrdreg $0x0  }
0xa8: {  	s4 =	sshll.u32 s28, $0x1;
	[dreg:$0x2] =	wrdreg s2  }
0xa9: {  	[dreg:$0x3] =	wrdreg s4  }
0xaa: {  	[dreg:$0x4] =	wrdreg $0xC0  }
0xab: {  	_ =	task [dreg:s6], $0x5FFFF  }
0xac: {  	[dreg:$0x1] =	wrdreg $0xFFFFFFFF  }
0xad: {  	[dreg:$0x0] =	wrdreg $0x60  }
0xae: {  	[dreg:$0x2] =	wrdreg s24  }
0xaf: {  	[dreg:$0x3] =	wrdreg $0xB0000  }
0xb0: {  	[dreg:$0x4] =	wrdreg $0x9  }
0xb1: {  	_ =	task.clear_ibuf [dreg:s6], $0x5FFFF;
	_ =	strace $0x90000049  }
0xb2: {  	s29 =	simm.s32 $0x9;
	_ =	strace $0x8000004B  }
0xb3: {  	_ =	swait.ge [sflag:s29], $0x1  }
0xb4: {  	[sflag:s29] =	ssyncadd.s32 $0xFFFFFFFF  }
0xb5: {  	_ =	strace $0x9000004B  }
0xb6: {  	_ =	sfence  }
0xb7: {  	s30 =	sld [smem:$0x0];
	_ =	sdelay $0x2  }
0xb8: {  	s31 =	sshll.u32 s1, $0xD;
	s1 =	sshrl.u32 s1, $0x2  }
0xb9: {  	s3 =	sand.u32 $0x4000, s31;
	s1 =	sadd.s32 s1, s30  }
0xba: {  	s0 =	sor.u32 s3, s0;
	s1 =	sshll.u32 s1, $0x11  }
0xbb: {  	s0 =	sor.u32 s1, s0  }
0xbc: {  	s0 =	sadd.s32 $0x8F2B, s0  }
0xbd: {  	[sflag:s0] =	ssyncadd.remote.s32 $0x1  }
0xbe: {  	_ =	sfence.sel $0xFFFF  }
0xbf: {  	[dreg:$0x0] =	wrdreg $0xFFFFFFFF;
	(pc) =	sbr.abs _section_cstart, $3  }
0xc0: {  	[dreg:$0x1] =	wrdreg $0xFFFFFFFF  }
0xc1: {  	_ =	task.clear_ibuf [dreg:s6], $0x2FFFF;
	_ =	strace $0x9FFFFFFF  }
0xc2: {  	(tm) =	ssettm $0x7FFFFFFF  }
0xc3: {  	_ =	shalt  }
tec
execute0_lowered:
.L_overlay_start_1:
0x0: {  	(tag) =	ssettag $0x1  }
0x1: {  	s5 =	rddreg [dreg:$0x0]  }
0x2: {  	s0 =	srdreg.scid;
	s2 =	rddreg [dreg:$0x1]  }
0x3: {  	s24 =	stileid.u32;
	s3 =	simm.s32 $0x0;
	s20 =	simm.s32 $0x3  }
0x4: {  	s22 =	simm.s32 $0x9000;
	s21 =	stileid.u32;
	s23 =	simm.s32 $0x80  }
0x5: {  	s28 =	simm.s32 $0x2;
	s29 =	simm.s32 $0x0;
	s6 =	sand.u32 $0x1, s0  }
0x6: {  	[smem:$0x7FF] =	sst s3;
	s10 =	sadd.s32 $0x3D400, s5;
	s11 =	smul.u32 $0x14000, s24  }
0x7: {  	s30 =	smul.u32 $0x50000, s24;
	s25 =	sadd.s32 $0x12C000, s2;
	p0 =	seq.s32 s24, $0xF  }
0x8: {  	s4 =	sshll.u32 s6, $0x4;
	_ =	strace $0x8000004A;
	s8 =	ssub.s32 $0x2, s6  }
0x9: {  	s9 =	smul.u32 $0x138800, s6;
	s25 =	sshrl.u32 @p0 s25, $0x3;
	s4 =	sor.u32 s24, s4  }
0xa: {  	s26 =	sshrl.u32 s8, $0x1;
	s24 =	simm.s32 $0x5000;
	s7 =	smul.u32 $0x500, s4  }
0xb: {  	s4 =	sadd.s32 $0x16200, s5;
	s12 =	ssub.s32 s8, s26;
	s31 =	sadd.s32 s11, s9  }
0xc: {  	s9 =	sshrl.u32 s9, $0x3;
	s8 =	sshrl.u32 s30, $0x2;
	s26 =	simm.s32 $0x1  }
0xd: {  	s11 =	sshrl.u32 s31, $0x3;
	s9 =	sadd.s32 s10, s9;
	s7 =	sadd.s32 s7, s5  }
0xe: {  	s9 =	sadd.s32 $0x25800, s9;
	s5 =	sadd.s32 $0xC200, s7;
	s6 =	sadd.s32 $0x2200, s7  }
0xf: {  	s7 =	sadd.s32 s8, s2;
	s8 =	sadd.s32 s10, s11;
	s10 =	smax.u32 s12, $0x1  }
0x10: {  	s11 =	sadd.s32 $0x2000, s7;
	s12 =	sadd.s32 $0x4000, s7;
	s13 =	sadd.s32 $0x6000, s7  }
0x11: {  	s14 =	sadd.s32 $0x8000, s7;
	s15 =	sadd.s32 $0xA000, s7;
	s16 =	sadd.s32 $0xC000, s7  }
0x12: {  	v0 =	vimm.f32 $0.0e+00;
	s17 =	sadd.s32 $0xE000, s7;
	s18 =	sadd.s32 $0x10000, s7;
	s19 =	sadd.s32 $0x12000, s7  }
.LBB2_1:
0x13: {  	[tilespmem:s3], [sflag:$0x3] =	stream.linear.gather [hbm4b:s5+s3], $0x2800, $0x38;
	[tilespmem:$0x1F000] =	vst v63  }
0x14: {  	_ =	swait.ge [sflag:s20], $0x2800  }
0x15: {  	[sflag:s20] =	ssyncset.done $0x0  }
0x16: {  	s0 =	simm.s32 $0x2800;
	[sflag:s20] =	ssyncadd.s32 $0xFFFFD800  }
0x17: {  	[tilespmem:s0], [sflag:$0x3] =	stream.linear.gather [hbm4b:s6+s3], $0x2800, $0x38;
	[tilespmem:$0x1F000] =	vst v63  }
0x18: {  	_ =	swait.ge [sflag:s20], $0x2800  }
0x19: {  	[sflag:s20] =	ssyncset.done $0x0  }
0x1a: {  	s30 =	simm.s32 $0x0;
	s31 =	simm.s32 $0x200;
	[sflag:s20] =	ssyncadd.s32 $0xFFFFD800  }
.LBB2_2:
0x1b: {  	p1 =	sne.s32 s31, $0x7E00;
	[tilespmem:s30+$0x9070] =	vst v0  }
0x1c: {  	[tilespmem:s30+$0x9000] =	vst v0  }
0x1d: {  	[tilespmem:s30+$0x9010] =	vst v0  }
.Ltmp0:
0x1e: {  	[tilespmem:s30+$0x9020] =	vst v0;
	(pc) =	sbr.rel @p1 .LBB2_2-.Ltmp0, $4  }
0x1f: {  	[tilespmem:s30+$0x9030] =	vst v0  }
0x20: {  	[tilespmem:s30+$0x9040] =	vst v0  }
0x21: {  	[tilespmem:s30+$0x9050] =	vst v0  }
0x22: {  	[tilespmem:s30+$0x9060] =	vst v0;
	s30 =	sshra.s32 s31, $0x2;
	s31 =	sadd.s32 $0x200, s31  }
0x23: {  	[tilespmem:s30+$0x9070] =	vst v0  }
0x24: {  	[tilespmem:s30+$0x9000] =	vst v0  }
0x25: {  	[tilespmem:s30+$0x9010] =	vst v0  }
0x26: {  	[tilespmem:s30+$0x9020] =	vst v0  }
0x27: {  	[tilespmem:s30+$0x9030] =	vst v0  }
0x28: {  	[tilespmem:s30+$0x9040] =	vst v0  }
0x29: {  	[tilespmem:s30+$0x9050] =	vst v0  }
0x2a: {  	[tilespmem:s30+$0x9060] =	vst v0  }
0x2b: {  	[spmem:s7] =	stream.linear.scatter [tilespmem:s22], [sflag:$0x3], $0x2000, $0x38;
	[tilespmem:$0x1F000] =	vst v63  }
0x2c: {  	_ =	swait.ge [sflag:s20], $0x2000  }
0x2d: {  	[sflag:s20] =	ssyncset.done $0x0  }
0x2e: {  	[sflag:s20] =	ssyncadd.s32 $0xFFFFE000  }
0x2f: {  	[spmem:s11] =	stream.linear.scatter [tilespmem:s22], [sflag:$0x3], $0x2000, $0x38;
	[tilespmem:$0x1F000] =	vst v63  }
0x30: {  	_ =	swait.ge [sflag:s20], $0x2000  }
0x31: {  	[sflag:s20] =	ssyncset.done $0x0  }
0x32: {  	[sflag:s20] =	ssyncadd.s32 $0xFFFFE000  }
0x33: {  	[spmem:s12] =	stream.linear.scatter [tilespmem:s22], [sflag:$0x3], $0x2000, $0x38;
	[tilespmem:$0x1F000] =	vst v63  }
0x34: {  	_ =	swait.ge [sflag:s20], $0x2000  }
0x35: {  	[sflag:s20] =	ssyncset.done $0x0  }
0x36: {  	[sflag:s20] =	ssyncadd.s32 $0xFFFFE000  }
0x37: {  	[spmem:s13] =	stream.linear.scatter [tilespmem:s22], [sflag:$0x3], $0x2000, $0x38;
	[tilespmem:$0x1F000] =	vst v63  }
0x38: {  	_ =	swait.ge [sflag:s20], $0x2000  }
0x39: {  	[sflag:s20] =	ssyncset.done $0x0  }
0x3a: {  	[sflag:s20] =	ssyncadd.s32 $0xFFFFE000  }
0x3b: {  	[spmem:s14] =	stream.linear.scatter [tilespmem:s22], [sflag:$0x3], $0x2000, $0x38;
	[tilespmem:$0x1F000] =	vst v63  }
0x3c: {  	_ =	swait.ge [sflag:s20], $0x2000  }
0x3d: {  	[sflag:s20] =	ssyncset.done $0x0  }
0x3e: {  	[sflag:s20] =	ssyncadd.s32 $0xFFFFE000  }
0x3f: {  	[spmem:s15] =	stream.linear.scatter [tilespmem:s22], [sflag:$0x3], $0x2000, $0x38;
	[tilespmem:$0x1F000] =	vst v63  }
0x40: {  	_ =	swait.ge [sflag:s20], $0x2000  }
0x41: {  	[sflag:s20] =	ssyncset.done $0x0  }
0x42: {  	[sflag:s20] =	ssyncadd.s32 $0xFFFFE000  }
0x43: {  	[spmem:s16] =	stream.linear.scatter [tilespmem:s22], [sflag:$0x3], $0x2000, $0x38;
	[tilespmem:$0x1F000] =	vst v63  }
0x44: {  	_ =	swait.ge [sflag:s20], $0x2000  }
0x45: {  	[sflag:s20] =	ssyncset.done $0x0  }
0x46: {  	[sflag:s20] =	ssyncadd.s32 $0xFFFFE000  }
0x47: {  	[spmem:s17] =	stream.linear.scatter [tilespmem:s22], [sflag:$0x3], $0x2000, $0x38;
	[tilespmem:$0x1F000] =	vst v63  }
0x48: {  	_ =	swait.ge [sflag:s20], $0x2000  }
0x49: {  	[sflag:s20] =	ssyncset.done $0x0  }
0x4a: {  	[sflag:s20] =	ssyncadd.s32 $0xFFFFE000  }
0x4b: {  	[spmem:s18] =	stream.linear.scatter [tilespmem:s22], [sflag:$0x3], $0x2000, $0x38;
	[tilespmem:$0x1F000] =	vst v63  }
0x4c: {  	_ =	swait.ge [sflag:s20], $0x2000  }
0x4d: {  	[sflag:s20] =	ssyncset.done $0x0  }
0x4e: {  	[sflag:s20] =	ssyncadd.s32 $0xFFFFE000  }
0x4f: {  	[spmem:s19] =	stream.linear.scatter [tilespmem:s22], [sflag:$0x3], $0x2000, $0x38;
	[tilespmem:$0x1F000] =	vst v63  }
0x50: {  	_ =	swait.ge [sflag:s20], $0x2000  }
0x51: {  	[sflag:s20] =	ssyncset.done $0x0  }
0x52: {  	[sflag:s20] =	ssyncadd.s32 $0xFFFFE000  }
0x53: {  	s30 =	simm.s32 $0x0;
	[bflag:$0x0] =	sbarrier.arrive $0xFFFF  }
0x54: {  	[tilespmem:s24], [sflag:$0x1] =	stream.indirect.gather [hbm4b:s4+s23], $0x80, s30, s23, $0xb8;
	[tilespmem:$0x1F000] =	vst v63  }
0x55: {  	_ =	swait.ge [sflag:s26], $0x4000  }
0x56: {  	[sflag:s26] =	ssyncset.done $0x0  }
0x57: {  	s30 =	simm.s32 $0x2800;
	[sflag:s26] =	ssyncadd.s32 $0xFFFFC000  }
0x58: {  	[spmem:s2] =	stream.indirect.scatter.add.f32 [tilespmem:s24], [sflag:$0x2], $0x80, s30, s23, $0xb8;
	[tilespmem:$0x1F000] =	vst v63  }
0x59: {  	_ =	swait.ge [sflag:s28], $0x4000  }
0x5a: {  	s31 =	simm.s32 $0x400;
	s30 =	simm.s32 $0x200;
	[sflag:s28] =	ssyncset.done $0x0  }
.LBB2_4:
0x5b: {  	s0 =	sshra.s32 s30, $0x2  }
0x5c: {  	[sflag:s28] =	ssyncadd.s32 $0xFFFFC000;
	s30 =	smov.u32 s31;
	s1 =	sadd.s32 $0x200, s31  }
0x5d: {  	[tilespmem:s24], [sflag:$0x1] =	stream.indirect.gather [hbm4b:s4+s23], $0x80, s0, s23, $0xb8;
	[tilespmem:$0x1F000] =	vst v63  }
0x5e: {  	p1 =	sne.s32 s31, $0x9E00;
	_ =	swait.ge [sflag:s26], $0x4000  }
.Ltmp1:
0x5f: {  	[sflag:s26] =	ssyncset.done $0x0;
	(pc) =	sbr.rel @p1 .LBB2_4-.Ltmp1, $4  }
0x60: {  	s0 =	sadd.s32 $0x2800, s0;
	[sflag:s26] =	ssyncadd.s32 $0xFFFFC000  }
0x61: {  	[spmem:s2] =	stream.indirect.scatter.add.f32 [tilespmem:s24], [sflag:$0x2], $0x80, s0, s23, $0xb8;
	[tilespmem:$0x1F000] =	vst v63  }
0x62: {  	_ =	swait.ge [sflag:s28], $0x4000  }
0x63: {  	s31 =	smov.u32 s1;
	[sflag:s28] =	ssyncset.done $0x0  }
0x64: {  	s0 =	sshra.s32 s30, $0x2;
	[sflag:s28] =	ssyncadd.s32 $0xFFFFC000  }
0x65: {  	[tilespmem:s24], [sflag:$0x1] =	stream.indirect.gather [hbm4b:s4+s23], $0x80, s0, s23, $0xb8;
	[tilespmem:$0x1F000] =	vst v63  }
0x66: {  	_ =	swait.ge [sflag:s26], $0x4000  }
0x67: {  	[sflag:s26] =	ssyncset.done $0x0  }
0x68: {  	s0 =	sadd.s32 $0x2800, s0;
	[sflag:s26] =	ssyncadd.s32 $0xFFFFC000  }
0x69: {  	[spmem:s2] =	stream.indirect.scatter.add.f32 [tilespmem:s24], [sflag:$0x2], $0x80, s0, s23, $0xb8;
	[tilespmem:$0x1F000] =	vst v63  }
0x6a: {  	_ =	swait.ge [sflag:s28], $0x4000  }
0x6b: {  	[sflag:s28] =	ssyncset.done $0x0  }
0x6c: {  	[sflag:s28] =	ssyncadd.s32 $0xFFFFC000  }
0x6d: {  	s0 =	simm.s32 @p0 $0x1FC3;
	[bflag:$0x0] =	sbarrier.arrive $0xFFFF  }
0x6e: {  	[hbm:s9], [sflag:s0] =	dma.local @p0 [spmem:s25], $0x1900  }
0x6f: {  	s0 =	simm.s32 @p0 $0x3  }
0x70: {  	s29 =	sadd.s32 $0x1, s29;
	_ =	swait.ge @p0 [sflag:s0], $0x1900  }
0x71: {  	s1 =	sshll.u32 @!p0 s21, $0x6;
	p1 =	sne.s32 s29, s10;
	[sflag:s0] =	ssyncset.done @p0 $0x0  }
0x72: {  	[sflag:s0] =	ssyncadd.s32 @p0 $0xFFFFE700;
	s0 =	sor.u32 @!p0 $0x1C03, s1;
	s1 =	sshrl.u32 @!p0 s7, $0x3  }
0x73: {  	[hbm:s8], [sflag:s0] =	dma.local @!p0 [spmem:s1], $0x2800  }
.Ltmp2:
0x74: {  	_ = 	snop;
	(pc) =	sbr.rel @p1 .LBB2_1-.Ltmp2, $4  }
0x75: {  	s0 =	simm.s32 @!p0 $0x3  }
0x76: {  	_ =	swait.ge @!p0 [sflag:s0], $0x2800  }
0x77: {  	[sflag:s0] =	ssyncset.done @!p0 $0x0  }
0x78: {  	[sflag:s0] =	ssyncadd.s32 @!p0 $0xFFFFD800  }
0x79: {  	_ =	sfence.sel $0x180000  }
0x7a: {  	[bflag:$0x0] =	sbarrier.arrive $0xFFFF  }
0x7b: {  	_ =	strace $0x9000004A  }
0x7c: {  	[bflag:$0x2] =	sbarrier.arrive $0xFFFF  }
0x7d: {  	p0 =	sne.s32 s21, $0x0;
	s0 =	rddreg [dreg:$0x2]  }
0x7e: {  	s0 =	sadd.s32 @!p0 $0x100000, s0  }
0x7f: {  	[sflag:s0] =	ssyncadd.tile.s32 @!p0 $0x1;
	_ =	shalt  }
.Lfunc_end2:
_tile_overlayer_lowered:
.L_overlay_start_2:
0x80: {  	(tag) =	ssettag $0x2  }
0x81: {  	s0 =	rddreg [dreg:$0x0];
	s2 =	stileid.u32  }
0x82: {  	s1 =	rddreg [dreg:$0x1];
	p0 =	sne.s32 s2, $0x0  }
0x83: {  	s3 =	rddreg [dreg:$0x2];
	[bflag:$0x3] =	sbarrier.arrive $0xFFFF;
	s2 =	simm.s32 @!p0 $0x1C03  }
0x84: {  	[timem:s3], [sflag:s2] =	dma.local @!p0 [hbm:s0], s1  }
0x85: {  	s0 =	simm.s32 @!p0 $0x3  }
0x86: {  	_ =	swait.ge @!p0 [sflag:s0], s1  }
0x87: {  	s1 =	ssub.s32 @!p0 $0x0, s1;
	[sflag:s0] =	ssyncset.done @!p0 $0x0  }
0x88: {  	[sflag:s0] =	ssyncadd.s32 @!p0 s1  }
0x89: {  	[bflag:$0x3] =	sbarrier.arrive $0xFFFF  }
0x8a: {  	_ =	shalt  }

// kernel: kernel.15.cloned.1.call-start
scs
__scs_entry_jumppad:
0x0: {  	(pc) =	sbr.rel $0x88, $3  }
0x1: {  	(tag) =	ssettag $0x0;
	lr =	simm.s32 $0x1  }
0x2: {  	[smem:$0x3F99] =	sst lr;
	_ =	strace $0xD0000000  }
0x3: {  	_ = 	snop  }
0x4: {  	_ = 	snop  }
0x5: {  	_ = 	snop  }
0x6: {  	_ = 	snop  }
0x7: {  	_ = 	snop  }
__scs_overlays_trampoline_lowered:
0x8: {  	[smem:$0x3FA8] =	sst s0  }
0x9: {  	[smem:$0x3FA9] =	sst s1  }
0xa: {  	[smem:$0x3FAA] =	sst s2  }
0xb: {  	[smem:$0x3FAB] =	sst s3  }
0xc: {  	[smem:$0x3FAC] =	sst s4  }
0xd: {  	[smem:$0x3FAD] =	sst s5  }
0xe: {  	[smem:$0x3FAE] =	sst s6  }
0xf: {  	[smem:$0x3FAF] =	sst s7  }
0x10: {  	[smem:$0x3FB0] =	sst s8  }
0x11: {  	[smem:$0x3FB1] =	sst s9;
	s0 =	simm.s32 @!p0 $0x0  }
0x12: {  	s1 =	sld [smem:$0x3F97];
	s0 =	simm.s32 @p0 $0x1  }
0x13: {  	[smem:$0x3FB2] =	sst s0;
	s0 =	simm.s32 @!p1 $0x0  }
0x14: {  	s2 =	sld [smem:$0x3F96];
	s0 =	simm.s32 @p1 $0x1  }
0x15: {  	[smem:$0x3FB3] =	sst s0;
	s0 =	simm.s32 @!p2 $0x0  }
0x16: {  	s3 =	sld [smem:$0x3FDB];
	s0 =	simm.s32 @p2 $0x1  }
0x17: {  	s4 =	simm.s32 $0x1BF5;
	[smem:$0x3FB5] =	sst s0  }
0x18: {  	s0 =	sld [smem:$0x3F98];
	_ =	swait.ge [sflag:s4], $0x0  }
0x19: {  	s7 =	sld [smem:$0x3F99]  }
0x1a: {  	s8 =	sadd.s32 $0xFFFFE003, lr  }
0x1b: {  	s9 =	sadd.s32 $0xFFFFFEF7, lr;
	s5 =	simm.s32 $0xFFFFFFFF;
	p2 =	slt.u32 s8, $0xFFFFF086  }
0x1c: {  	p1 =	slt.u32 s9, $0xF7A;
	s5 =	simm.s32 @!p2 $0x0  }
0x1d: {  	s5 =	simm.s32 @p1 $0x1;
	p0 =	seq.s32 s7, s2  }
0x1e: {  	s7 =	smul.u32 @!p0 $0xF7A, s2;
	p2 =	seq.s32 @!p0 s5, $0x0  }
0x1f: {  	s9 =	smul.u32 $0xF7A, s1;
	s8 =	simm.s32 @!p0 $0x1BF5;
	p2 =	por !p2, p0  }
0x20: {  	[sflag:s8] =	ssyncset.s32 @!p0 $0xFFFFF086;
	s6 =	sadd.s32 @!p0 s3, s7;
	s7 =	simm.s32 @!p0 $0x108  }
0x21: {  	s3 =	sadd.s32 s3, s9;
	s6 =	sadd.s32 @!p0 $0x88, s6;
	s7 =	simm.s32 @p2 $0x1082  }
0x22: {  	[simem:s7], [sflag:s8] =	dma.local @!p0 [hbm:s6], $0xF7A  }
0x23: {  	s9 =	sor.u32 $0xD0000000, s2;
	s6 =	simm.s32 $0x108;
	_ =	swait.ge @!p0 [sflag:s8], $0x0  }
0x24: {  	s3 =	sadd.s32 $0x88, s3;
	s6 =	simm.s32 @!p1 $0x1082;
	[sflag:s4] =	ssyncset.s32 $0xFFFFF086  }
0x25: {  	[simem:s6], [sflag:s4] =	dma.local [hbm:s3], $0xF7A  }
0x26: {  	[smem:$0x3F99] =	sst s1;
	(tag) =	ssettag s2;
	_ =	strace s9  }
0x27: {  	s1 =	sld [smem:$0x3FA9]  }
0x28: {  	s2 =	sld [smem:$0x3FAA]  }
0x29: {  	s4 =	sld [smem:$0x3FAC]  }
0x2a: {  	p0 =	seq.s32 s5, $0x0;
	s5 =	sld [smem:$0x3FAD]  }
0x2b: {  	s6 =	sld [smem:$0x3FAE]  }
0x2c: {  	s7 =	sld [smem:$0x3FAF]  }
0x2d: {  	s3 =	simm.s32 $0x108;
	s8 =	sld [smem:$0x3FB0]  }
0x2e: {  	s3 =	simm.s32 @!p0 $0x1082;
	s9 =	sld [smem:$0x3FB1]  }
0x2f: {  	lr =	sadd.s32 s0, s3;
	s0 =	sld [smem:$0x3FA8]  }
0x30: {  	s3 =	sld [smem:$0x3FAB]  }
0x31: {  	[smem:$0x3FB4] =	sst s10  }
0x32: {  	s10 =	sld [smem:$0x3FB2];
	_ =	sdelay $0x3  }
0x33: {  	p0 =	seq.s32 s10, $0x1;
	s10 =	sld [smem:$0x3FB4];
	_ =	sdelay $0x3  }
0x34: {  	[smem:$0x3FB4] =	sst s10  }
0x35: {  	s10 =	sld [smem:$0x3FB3];
	_ =	sdelay $0x3  }
0x36: {  	p1 =	seq.s32 s10, $0x1;
	s10 =	sld [smem:$0x3FB4];
	_ =	sdelay $0x3  }
0x37: {  	[smem:$0x3FB4] =	sst s10  }
0x38: {  	s10 =	sld [smem:$0x3FB5]  }
0x39: {  	_ = 	snop;
	(pc) =	sbr.ind lr, $3  }
0x3a: {  	_ = 	snop  }
0x3b: {  	_ = 	snop  }
0x3c: {  	p2 =	seq.s32 s10, $0x1;
	s10 =	sld [smem:$0x3FB4]  }
0x3d: {  	_ =	shalt  }
0x3e: {  	_ =	shalt  }
0x3f: {  	_ =	shalt  }
0x40: {  	_ =	shalt  }
0x41: {  	_ =	shalt  }
0x42: {  	_ =	shalt  }
0x43: {  	_ =	shalt  }
0x44: {  	_ =	shalt  }
0x45: {  	_ =	shalt  }
0x46: {  	_ =	shalt  }
0x47: {  	_ =	shalt  }
0x48: {  	_ =	shalt  }
0x49: {  	_ =	shalt  }
0x4a: {  	_ =	shalt  }
0x4b: {  	_ =	shalt  }
0x4c: {  	_ =	shalt  }
0x4d: {  	_ =	shalt  }
0x4e: {  	_ =	shalt  }
0x4f: {  	_ =	shalt  }
0x50: {  	_ =	shalt  }
0x51: {  	_ =	shalt  }
0x52: {  	_ =	shalt  }
0x53: {  	_ =	shalt  }
0x54: {  	_ =	shalt  }
0x55: {  	_ =	shalt  }
0x56: {  	_ =	shalt  }
0x57: {  	_ =	shalt  }
0x58: {  	_ =	shalt  }
0x59: {  	_ =	shalt  }
0x5a: {  	_ =	shalt  }
0x5b: {  	_ =	shalt  }
0x5c: {  	_ =	shalt  }
0x5d: {  	_ =	shalt  }
0x5e: {  	_ =	shalt  }
0x5f: {  	_ =	shalt  }
0x60: {  	_ =	shalt  }
0x61: {  	_ =	shalt  }
0x62: {  	_ =	shalt  }
0x63: {  	_ =	shalt  }
0x64: {  	_ =	shalt  }
0x65: {  	_ =	shalt  }
0x66: {  	_ =	shalt  }
0x67: {  	_ =	shalt  }
0x68: {  	_ =	shalt  }
0x69: {  	_ =	shalt  }
0x6a: {  	_ =	shalt  }
0x6b: {  	_ =	shalt  }
0x6c: {  	_ =	shalt  }
0x6d: {  	_ =	shalt  }
0x6e: {  	_ =	shalt  }
0x6f: {  	_ =	shalt  }
0x70: {  	_ =	shalt  }
0x71: {  	_ =	shalt  }
0x72: {  	_ =	shalt  }
0x73: {  	_ =	shalt  }
0x74: {  	_ =	shalt  }
0x75: {  	_ =	shalt  }
0x76: {  	_ =	shalt  }
0x77: {  	_ =	shalt  }
0x78: {  	_ =	shalt  }
0x79: {  	_ =	shalt  }
0x7a: {  	_ =	shalt  }
0x7b: {  	_ =	shalt  }
0x7c: {  	_ =	shalt  }
0x7d: {  	_ =	shalt  }
0x7e: {  	_ =	shalt  }
0x7f: {  	_ =	shalt  }
0x80: {  	_ =	shalt  }
0x81: {  	_ =	shalt  }
0x82: {  	_ =	shalt  }
0x83: {  	_ =	shalt  }
0x84: {  	_ =	shalt  }
0x85: {  	_ =	shalt  }
0x86: {  	_ =	shalt  }
0x87: {  	_ =	shalt  }
.Lfunc_end0:
.L_simem_size_0:
called_computation.2_lowered:
.L_overlay_start_0:
0x88: {  	s2 =	sld [smem:$0x3FD9]  }
0x89: {  	s3 =	sld [smem:$0x3FFE];
	_ =	sdelay $0x1  }
0x8a: {  	s1 =	srdreg.scid  }
0x8b: {  	s0 =	sand.u32 $0x1, s1  }
0x8c: {  	s16 =	sshll.u32 s0, $0xA;
	s2 =	sadd.s32 s3, s2  }
0x8d: {  	s2 =	sadd.s32 s2, s16  }
0x8e: {  	[smem:$0x3FC0] =	sst s2  }
0x8f: {  	_ = 	snop  }
0x90: {  	(tm) =	ssettm $0x1  }
0x91: {  	s17 =	sld [smem:$0x3FFB];
	_ =	sdelay $0x3  }
0x92: {  	_ =	strace s17  }
0x93: {  	s2 =	sld [smem:$0x3FFC];
	_ =	sdelay $0x3  }
0x94: {  	_ =	strace s2  }
0x95: {  	s2 =	sld [smem:$0x3FFD];
	_ =	sdelay $0x3  }
0x96: {  	_ =	strace s2  }
0x97: {  	_ =	strace $0x8FFFFFFF  }
0x98: {  	s18 =	sld [smem:$0x3FDB];
	_ =	sdelay $0x1  }
0x99: {  	s19 =	simm.s32 $_scs_section_size  }
0x9a: {  	s4 =	simm.s32 $_size__tile_overlayer_lowered;
	s5 =	simm.s32 $_tile_overlayer_lowered  }
0x9b: {  	s22 =	simm.s32 $0x1BFF;
	s21 =	sshll.u32 s5, $0x1;
	s2 =	sadd.s32 s19, s18  }
0x9c: {  	s6 =	simm.s32 $0x0;
	s20 =	sshll.u32 s4, $0x1;
	s4 =	sadd.s32 s21, s2  }
0x9d: {  	[timem:s6], [sflag:s22] =	dma.local [hbm:s4], s20  }
0x9e: {  	_ =	swait.ge [sflag:s22], s20  }
0x9f: {  	s3 =	ssub.s32 $0x0, s20;
	[sflag:s22] =	ssyncset.done $0x0  }
0xa0: {  	[sflag:s22] =	ssyncadd.s32 s3;
	_ =	sdelay $0x1  }
0xa1: {  	s23 =	simm.s32 $0x1B8B  }
0xa2: {  	_ =	swait.ge [sflag:s23], $0x1  }
0xa3: {  	[sflag:s23] =	ssyncset.done $0x0  }
0xa4: {  	s25 =	simm.s32 $0x1B8E;
	s24 =	sld [smem:$0x3FFE];
	[sflag:s23] =	ssyncadd.s32 $0xFFFFFFFF  }
0xa5: {  	s26 =	simm.s32 $execute0_lowered;
	[smem:$0x3FD2] =	sst s25  }
0xa6: {  	s4 =	sshll.u32 s26, $0x1;
	_ =	strace $0x8000004C;
	[dreg:$0x1] =	wrdreg $0xFFFFFFFF  }
0xa7: {  	s28 =	simm.s32 $_size_execute0_lowered;
	s2 =	sadd.s32 s2, s4;
	[dreg:$0x0] =	wrdreg $0x0  }
0xa8: {  	s4 =	sshll.u32 s28, $0x1;
	[dreg:$0x2] =	wrdreg s2  }
0xa9: {  	[dreg:$0x3] =	wrdreg s4  }
0xaa: {  	[dreg:$0x4] =	wrdreg $0xC0  }
0xab: {  	_ =	task [dreg:s6], $0x5FFFF  }
0xac: {  	[dreg:$0x1] =	wrdreg $0xFFFFFFFF  }
0xad: {  	[dreg:$0x0] =	wrdreg $0x60  }
0xae: {  	[dreg:$0x2] =	wrdreg s24  }
0xaf: {  	[dreg:$0x3] =	wrdreg $0xB0000  }
0xb0: {  	[dreg:$0x4] =	wrdreg $0x9  }
0xb1: {  	_ =	task.clear_ibuf [dreg:s6], $0x5FFFF;
	_ =	strace $0x9000004C  }
0xb2: {  	s29 =	simm.s32 $0x9;
	_ =	strace $0x8000004E  }
0xb3: {  	_ =	swait.ge [sflag:s29], $0x1  }
0xb4: {  	[sflag:s29] =	ssyncadd.s32 $0xFFFFFFFF  }
0xb5: {  	_ =	strace $0x9000004E  }
0xb6: {  	_ =	sfence  }
0xb7: {  	s30 =	sld [smem:$0x0];
	_ =	sdelay $0x2  }
0xb8: {  	s31 =	sshll.u32 s1, $0xD;
	s1 =	sshrl.u32 s1, $0x2  }
0xb9: {  	s3 =	sand.u32 $0x4000, s31;
	s1 =	sadd.s32 s1, s30  }
0xba: {  	s0 =	sor.u32 s3, s0;
	s1 =	sshll.u32 s1, $0x11  }
0xbb: {  	s0 =	sor.u32 s1, s0  }
0xbc: {  	s0 =	sadd.s32 $0x8F2B, s0  }
0xbd: {  	[sflag:s0] =	ssyncadd.remote.s32 $0x1  }
0xbe: {  	_ =	sfence.sel $0xFFFF  }
0xbf: {  	[dreg:$0x0] =	wrdreg $0xFFFFFFFF;
	(pc) =	sbr.abs _section_cstart, $3  }
0xc0: {  	[dreg:$0x1] =	wrdreg $0xFFFFFFFF  }
0xc1: {  	_ =	task.clear_ibuf [dreg:s6], $0x2FFFF;
	_ =	strace $0x9FFFFFFF  }
0xc2: {  	(tm) =	ssettm $0x7FFFFFFF  }
0xc3: {  	_ =	shalt  }
tec
execute0_lowered:
.L_overlay_start_1:
0x0: {  	(tag) =	ssettag $0x1  }
0x1: {  	s5 =	rddreg [dreg:$0x0]  }
0x2: {  	s0 =	srdreg.scid;
	s2 =	rddreg [dreg:$0x1]  }
0x3: {  	s24 =	stileid.u32;
	s3 =	simm.s32 $0x0;
	s20 =	simm.s32 $0x3  }
0x4: {  	s22 =	simm.s32 $0x9000;
	s21 =	stileid.u32;
	s23 =	simm.s32 $0x80  }
0x5: {  	s28 =	simm.s32 $0x2;
	s29 =	simm.s32 $0x0;
	s6 =	sand.u32 $0x1, s0  }
0x6: {  	[smem:$0x7FF] =	sst s3;
	s10 =	sadd.s32 $0x3D400, s5;
	s11 =	smul.u32 $0x14000, s24  }
0x7: {  	s30 =	smul.u32 $0x50000, s24;
	s25 =	sadd.s32 $0x12C000, s2;
	p0 =	seq.s32 s24, $0xF  }
0x8: {  	s4 =	sshll.u32 s6, $0x4;
	_ =	strace $0x8000004D;
	s8 =	ssub.s32 $0x2, s6  }
0x9: {  	s9 =	smul.u32 $0x138800, s6;
	s25 =	sshrl.u32 @p0 s25, $0x3;
	s4 =	sor.u32 s24, s4  }
0xa: {  	s26 =	sshrl.u32 s8, $0x1;
	s24 =	simm.s32 $0x5000;
	s7 =	smul.u32 $0x500, s4  }
0xb: {  	s4 =	sadd.s32 $0x16200, s5;
	s12 =	ssub.s32 s8, s26;
	s31 =	sadd.s32 s11, s9  }
0xc: {  	s9 =	sshrl.u32 s9, $0x3;
	s8 =	sshrl.u32 s30, $0x2;
	s26 =	simm.s32 $0x1  }
0xd: {  	s11 =	sshrl.u32 s31, $0x3;
	s9 =	sadd.s32 s10, s9;
	s7 =	sadd.s32 s7, s5  }
0xe: {  	s9 =	sadd.s32 $0x25800, s9;
	s5 =	sadd.s32 $0xC200, s7;
	s6 =	sadd.s32 $0x2200, s7  }
0xf: {  	s7 =	sadd.s32 s8, s2;
	s8 =	sadd.s32 s10, s11;
	s10 =	smax.u32 s12, $0x1  }
0x10: {  	s11 =	sadd.s32 $0x2000, s7;
	s12 =	sadd.s32 $0x4000, s7;
	s13 =	sadd.s32 $0x6000, s7  }
0x11: {  	s14 =	sadd.s32 $0x8000, s7;
	s15 =	sadd.s32 $0xA000, s7;
	s16 =	sadd.s32 $0xC000, s7  }
0x12: {  	v0 =	vimm.f32 $0.0e+00;
	s17 =	sadd.s32 $0xE000, s7;
	s18 =	sadd.s32 $0x10000, s7;
	s19 =	sadd.s32 $0x12000, s7  }
.LBB2_1:
0x13: {  	[tilespmem:s3], [sflag:$0x3] =	stream.linear.gather [hbm4b:s5+s3], $0x2800, $0x38;
	[tilespmem:$0x1F000] =	vst v63  }
0x14: {  	_ =	swait.ge [sflag:s20], $0x2800  }
0x15: {  	[sflag:s20] =	ssyncset.done $0x0  }
0x16: {  	s0 =	simm.s32 $0x2800;
	[sflag:s20] =	ssyncadd.s32 $0xFFFFD800  }
0x17: {  	[tilespmem:s0], [sflag:$0x3] =	stream.linear.gather [hbm4b:s6+s3], $0x2800, $0x38;
	[tilespmem:$0x1F000] =	vst v63  }
0x18: {  	_ =	swait.ge [sflag:s20], $0x2800  }
0x19: {  	[sflag:s20] =	ssyncset.done $0x0  }
0x1a: {  	s30 =	simm.s32 $0x0;
	s31 =	simm.s32 $0x200;
	[sflag:s20] =	ssyncadd.s32 $0xFFFFD800  }
.LBB2_2:
0x1b: {  	p1 =	sne.s32 s31, $0x7E00;
	[tilespmem:s30+$0x9070] =	vst v0  }
0x1c: {  	[tilespmem:s30+$0x9000] =	vst v0  }
0x1d: {  	[tilespmem:s30+$0x9010] =	vst v0  }
.Ltmp0:
0x1e: {  	[tilespmem:s30+$0x9020] =	vst v0;
	(pc) =	sbr.rel @p1 .LBB2_2-.Ltmp0, $4  }
0x1f: {  	[tilespmem:s30+$0x9030] =	vst v0  }
0x20: {  	[tilespmem:s30+$0x9040] =	vst v0  }
0x21: {  	[tilespmem:s30+$0x9050] =	vst v0  }
0x22: {  	[tilespmem:s30+$0x9060] =	vst v0;
	s30 =	sshra.s32 s31, $0x2;
	s31 =	sadd.s32 $0x200, s31  }
0x23: {  	[tilespmem:s30+$0x9070] =	vst v0  }
0x24: {  	[tilespmem:s30+$0x9000] =	vst v0  }
0x25: {  	[tilespmem:s30+$0x9010] =	vst v0  }
0x26: {  	[tilespmem:s30+$0x9020] =	vst v0  }
0x27: {  	[tilespmem:s30+$0x9030] =	vst v0  }
0x28: {  	[tilespmem:s30+$0x9040] =	vst v0  }
0x29: {  	[tilespmem:s30+$0x9050] =	vst v0  }
0x2a: {  	[tilespmem:s30+$0x9060] =	vst v0  }
0x2b: {  	[spmem:s7] =	stream.linear.scatter [tilespmem:s22], [sflag:$0x3], $0x2000, $0x38;
	[tilespmem:$0x1F000] =	vst v63  }
0x2c: {  	_ =	swait.ge [sflag:s20], $0x2000  }
0x2d: {  	[sflag:s20] =	ssyncset.done $0x0  }
0x2e: {  	[sflag:s20] =	ssyncadd.s32 $0xFFFFE000  }
0x2f: {  	[spmem:s11] =	stream.linear.scatter [tilespmem:s22], [sflag:$0x3], $0x2000, $0x38;
	[tilespmem:$0x1F000] =	vst v63  }
0x30: {  	_ =	swait.ge [sflag:s20], $0x2000  }
0x31: {  	[sflag:s20] =	ssyncset.done $0x0  }
0x32: {  	[sflag:s20] =	ssyncadd.s32 $0xFFFFE000  }
0x33: {  	[spmem:s12] =	stream.linear.scatter [tilespmem:s22], [sflag:$0x3], $0x2000, $0x38;
	[tilespmem:$0x1F000] =	vst v63  }
0x34: {  	_ =	swait.ge [sflag:s20], $0x2000  }
0x35: {  	[sflag:s20] =	ssyncset.done $0x0  }
0x36: {  	[sflag:s20] =	ssyncadd.s32 $0xFFFFE000  }
0x37: {  	[spmem:s13] =	stream.linear.scatter [tilespmem:s22], [sflag:$0x3], $0x2000, $0x38;
	[tilespmem:$0x1F000] =	vst v63  }
0x38: {  	_ =	swait.ge [sflag:s20], $0x2000  }
0x39: {  	[sflag:s20] =	ssyncset.done $0x0  }
0x3a: {  	[sflag:s20] =	ssyncadd.s32 $0xFFFFE000  }
0x3b: {  	[spmem:s14] =	stream.linear.scatter [tilespmem:s22], [sflag:$0x3], $0x2000, $0x38;
	[tilespmem:$0x1F000] =	vst v63  }
0x3c: {  	_ =	swait.ge [sflag:s20], $0x2000  }
0x3d: {  	[sflag:s20] =	ssyncset.done $0x0  }
0x3e: {  	[sflag:s20] =	ssyncadd.s32 $0xFFFFE000  }
0x3f: {  	[spmem:s15] =	stream.linear.scatter [tilespmem:s22], [sflag:$0x3], $0x2000, $0x38;
	[tilespmem:$0x1F000] =	vst v63  }
0x40: {  	_ =	swait.ge [sflag:s20], $0x2000  }
0x41: {  	[sflag:s20] =	ssyncset.done $0x0  }
0x42: {  	[sflag:s20] =	ssyncadd.s32 $0xFFFFE000  }
0x43: {  	[spmem:s16] =	stream.linear.scatter [tilespmem:s22], [sflag:$0x3], $0x2000, $0x38;
	[tilespmem:$0x1F000] =	vst v63  }
0x44: {  	_ =	swait.ge [sflag:s20], $0x2000  }
0x45: {  	[sflag:s20] =	ssyncset.done $0x0  }
0x46: {  	[sflag:s20] =	ssyncadd.s32 $0xFFFFE000  }
0x47: {  	[spmem:s17] =	stream.linear.scatter [tilespmem:s22], [sflag:$0x3], $0x2000, $0x38;
	[tilespmem:$0x1F000] =	vst v63  }
0x48: {  	_ =	swait.ge [sflag:s20], $0x2000  }
0x49: {  	[sflag:s20] =	ssyncset.done $0x0  }
0x4a: {  	[sflag:s20] =	ssyncadd.s32 $0xFFFFE000  }
0x4b: {  	[spmem:s18] =	stream.linear.scatter [tilespmem:s22], [sflag:$0x3], $0x2000, $0x38;
	[tilespmem:$0x1F000] =	vst v63  }
0x4c: {  	_ =	swait.ge [sflag:s20], $0x2000  }
0x4d: {  	[sflag:s20] =	ssyncset.done $0x0  }
0x4e: {  	[sflag:s20] =	ssyncadd.s32 $0xFFFFE000  }
0x4f: {  	[spmem:s19] =	stream.linear.scatter [tilespmem:s22], [sflag:$0x3], $0x2000, $0x38;
	[tilespmem:$0x1F000] =	vst v63  }
0x50: {  	_ =	swait.ge [sflag:s20], $0x2000  }
0x51: {  	[sflag:s20] =	ssyncset.done $0x0  }
0x52: {  	[sflag:s20] =	ssyncadd.s32 $0xFFFFE000  }
0x53: {  	s30 =	simm.s32 $0x0;
	[bflag:$0x0] =	sbarrier.arrive $0xFFFF  }
0x54: {  	[tilespmem:s24], [sflag:$0x1] =	stream.indirect.gather [hbm4b:s4+s23], $0x80, s30, s23, $0xb8;
	[tilespmem:$0x1F000] =	vst v63  }
0x55: {  	_ =	swait.ge [sflag:s26], $0x4000  }
0x56: {  	[sflag:s26] =	ssyncset.done $0x0  }
0x57: {  	s30 =	simm.s32 $0x2800;
	[sflag:s26] =	ssyncadd.s32 $0xFFFFC000  }
0x58: {  	[spmem:s2] =	stream.indirect.scatter.add.f32 [tilespmem:s24], [sflag:$0x2], $0x80, s30, s23, $0xb8;
	[tilespmem:$0x1F000] =	vst v63  }
0x59: {  	_ =	swait.ge [sflag:s28], $0x4000  }
0x5a: {  	s31 =	simm.s32 $0x400;
	s30 =	simm.s32 $0x200;
	[sflag:s28] =	ssyncset.done $0x0  }
.LBB2_4:
0x5b: {  	s0 =	sshra.s32 s30, $0x2  }
0x5c: {  	[sflag:s28] =	ssyncadd.s32 $0xFFFFC000;
	s30 =	smov.u32 s31;
	s1 =	sadd.s32 $0x200, s31  }
0x5d: {  	[tilespmem:s24], [sflag:$0x1] =	stream.indirect.gather [hbm4b:s4+s23], $0x80, s0, s23, $0xb8;
	[tilespmem:$0x1F000] =	vst v63  }
0x5e: {  	p1 =	sne.s32 s31, $0x9E00;
	_ =	swait.ge [sflag:s26], $0x4000  }
.Ltmp1:
0x5f: {  	[sflag:s26] =	ssyncset.done $0x0;
	(pc) =	sbr.rel @p1 .LBB2_4-.Ltmp1, $4  }
0x60: {  	s0 =	sadd.s32 $0x2800, s0;
	[sflag:s26] =	ssyncadd.s32 $0xFFFFC000  }
0x61: {  	[spmem:s2] =	stream.indirect.scatter.add.f32 [tilespmem:s24], [sflag:$0x2], $0x80, s0, s23, $0xb8;
	[tilespmem:$0x1F000] =	vst v63  }
0x62: {  	_ =	swait.ge [sflag:s28], $0x4000  }
0x63: {  	s31 =	smov.u32 s1;
	[sflag:s28] =	ssyncset.done $0x0  }
0x64: {  	s0 =	sshra.s32 s30, $0x2;
	[sflag:s28] =	ssyncadd.s32 $0xFFFFC000  }
0x65: {  	[tilespmem:s24], [sflag:$0x1] =	stream.indirect.gather [hbm4b:s4+s23], $0x80, s0, s23, $0xb8;
	[tilespmem:$0x1F000] =	vst v63  }
0x66: {  	_ =	swait.ge [sflag:s26], $0x4000  }
0x67: {  	[sflag:s26] =	ssyncset.done $0x0  }
0x68: {  	s0 =	sadd.s32 $0x2800, s0;
	[sflag:s26] =	ssyncadd.s32 $0xFFFFC000  }
0x69: {  	[spmem:s2] =	stream.indirect.scatter.add.f32 [tilespmem:s24], [sflag:$0x2], $0x80, s0, s23, $0xb8;
	[tilespmem:$0x1F000] =	vst v63  }
0x6a: {  	_ =	swait.ge [sflag:s28], $0x4000  }
0x6b: {  	[sflag:s28] =	ssyncset.done $0x0  }
0x6c: {  	[sflag:s28] =	ssyncadd.s32 $0xFFFFC000  }
0x6d: {  	s0 =	simm.s32 @p0 $0x1FC3;
	[bflag:$0x0] =	sbarrier.arrive $0xFFFF  }
0x6e: {  	[hbm:s9], [sflag:s0] =	dma.local @p0 [spmem:s25], $0x1900  }
0x6f: {  	s0 =	simm.s32 @p0 $0x3  }
0x70: {  	s29 =	sadd.s32 $0x1, s29;
	_ =	swait.ge @p0 [sflag:s0], $0x1900  }
0x71: {  	s1 =	sshll.u32 @!p0 s21, $0x6;
	p1 =	sne.s32 s29, s10;
	[sflag:s0] =	ssyncset.done @p0 $0x0  }
0x72: {  	[sflag:s0] =	ssyncadd.s32 @p0 $0xFFFFE700;
	s0 =	sor.u32 @!p0 $0x1C03, s1;
	s1 =	sshrl.u32 @!p0 s7, $0x3  }
0x73: {  	[hbm:s8], [sflag:s0] =	dma.local @!p0 [spmem:s1], $0x2800  }
.Ltmp2:
0x74: {  	_ = 	snop;
	(pc) =	sbr.rel @p1 .LBB2_1-.Ltmp2, $4  }
0x75: {  	s0 =	simm.s32 @!p0 $0x3  }
0x76: {  	_ =	swait.ge @!p0 [sflag:s0], $0x2800  }
0x77: {  	[sflag:s0] =	ssyncset.done @!p0 $0x0  }
0x78: {  	[sflag:s0] =	ssyncadd.s32 @!p0 $0xFFFFD800  }
0x79: {  	_ =	sfence.sel $0x180000  }
0x7a: {  	[bflag:$0x0] =	sbarrier.arrive $0xFFFF  }
0x7b: {  	_ =	strace $0x9000004D  }
0x7c: {  	[bflag:$0x2] =	sbarrier.arrive $0xFFFF  }
0x7d: {  	p0 =	sne.s32 s21, $0x0;
	s0 =	rddreg [dreg:$0x2]  }
0x7e: {  	s0 =	sadd.s32 @!p0 $0x100000, s0  }
0x7f: {  	[sflag:s0] =	ssyncadd.tile.s32 @!p0 $0x1;
	_ =	shalt  }
.Lfunc_end2:
_tile_overlayer_lowered:
.L_overlay_start_2:
0x80: {  	(tag) =	ssettag $0x2  }
0x81: {  	s0 =	rddreg [dreg:$0x0];
	s2 =	stileid.u32  }
0x82: {  	s1 =	rddreg [dreg:$0x1];
	p0 =	sne.s32 s2, $0x0  }
0x83: {  	s3 =	rddreg [dreg:$0x2];
	[bflag:$0x3] =	sbarrier.arrive $0xFFFF;
	s2 =	simm.s32 @!p0 $0x1C03  }
0x84: {  	[timem:s3], [sflag:s2] =	dma.local @!p0 [hbm:s0], s1  }
0x85: {  	s0 =	simm.s32 @!p0 $0x3  }
0x86: {  	_ =	swait.ge @!p0 [sflag:s0], s1  }
0x87: {  	s1 =	ssub.s32 @!p0 $0x0, s1;
	[sflag:s0] =	ssyncset.done @!p0 $0x0  }
0x88: {  	[sflag:s0] =	ssyncadd.s32 @!p0 s1  }
0x89: {  	[bflag:$0x3] =	sbarrier.arrive $0xFFFF  }
0x8a: {  	_ =	shalt  }

// kernel: kernel.9.cloned.1.call-start
scs
__scs_entry_jumppad:
0x0: {  	(pc) =	sbr.rel $0x88, $3  }
0x1: {  	(tag) =	ssettag $0x0;
	lr =	simm.s32 $0x1  }
0x2: {  	[smem:$0x3F99] =	sst lr;
	_ =	strace $0xD0000000  }
0x3: {  	_ = 	snop  }
0x4: {  	_ = 	snop  }
0x5: {  	_ = 	snop  }
0x6: {  	_ = 	snop  }
0x7: {  	_ = 	snop  }
__scs_overlays_trampoline_lowered:
0x8: {  	[smem:$0x3FA8] =	sst s0  }
0x9: {  	[smem:$0x3FA9] =	sst s1  }
0xa: {  	[smem:$0x3FAA] =	sst s2  }
0xb: {  	[smem:$0x3FAB] =	sst s3  }
0xc: {  	[smem:$0x3FAC] =	sst s4  }
0xd: {  	[smem:$0x3FAD] =	sst s5  }
0xe: {  	[smem:$0x3FAE] =	sst s6  }
0xf: {  	[smem:$0x3FAF] =	sst s7  }
0x10: {  	[smem:$0x3FB0] =	sst s8  }
0x11: {  	[smem:$0x3FB1] =	sst s9;
	s0 =	simm.s32 @!p0 $0x0  }
0x12: {  	s1 =	sld [smem:$0x3F97];
	s0 =	simm.s32 @p0 $0x1  }
0x13: {  	[smem:$0x3FB2] =	sst s0;
	s0 =	simm.s32 @!p1 $0x0  }
0x14: {  	s2 =	sld [smem:$0x3F96];
	s0 =	simm.s32 @p1 $0x1  }
0x15: {  	[smem:$0x3FB3] =	sst s0;
	s0 =	simm.s32 @!p2 $0x0  }
0x16: {  	s3 =	sld [smem:$0x3FDB];
	s0 =	simm.s32 @p2 $0x1  }
0x17: {  	s4 =	simm.s32 $0x1BF5;
	[smem:$0x3FB5] =	sst s0  }
0x18: {  	s0 =	sld [smem:$0x3F98];
	_ =	swait.ge [sflag:s4], $0x0  }
0x19: {  	s7 =	sld [smem:$0x3F99]  }
0x1a: {  	s8 =	sadd.s32 $0xFFFFE003, lr  }
0x1b: {  	s9 =	sadd.s32 $0xFFFFFEF7, lr;
	s5 =	simm.s32 $0xFFFFFFFF;
	p2 =	slt.u32 s8, $0xFFFFF086  }
0x1c: {  	p1 =	slt.u32 s9, $0xF7A;
	s5 =	simm.s32 @!p2 $0x0  }
0x1d: {  	s5 =	simm.s32 @p1 $0x1;
	p0 =	seq.s32 s7, s2  }
0x1e: {  	s7 =	smul.u32 @!p0 $0xF7A, s2;
	p2 =	seq.s32 @!p0 s5, $0x0  }
0x1f: {  	s9 =	smul.u32 $0xF7A, s1;
	s8 =	simm.s32 @!p0 $0x1BF5;
	p2 =	por !p2, p0  }
0x20: {  	[sflag:s8] =	ssyncset.s32 @!p0 $0xFFFFF086;
	s6 =	sadd.s32 @!p0 s3, s7;
	s7 =	simm.s32 @!p0 $0x108  }
0x21: {  	s3 =	sadd.s32 s3, s9;
	s6 =	sadd.s32 @!p0 $0x88, s6;
	s7 =	simm.s32 @p2 $0x1082  }
0x22: {  	[simem:s7], [sflag:s8] =	dma.local @!p0 [hbm:s6], $0xF7A  }
0x23: {  	s9 =	sor.u32 $0xD0000000, s2;
	s6 =	simm.s32 $0x108;
	_ =	swait.ge @!p0 [sflag:s8], $0x0  }
0x24: {  	s3 =	sadd.s32 $0x88, s3;
	s6 =	simm.s32 @!p1 $0x1082;
	[sflag:s4] =	ssyncset.s32 $0xFFFFF086  }
0x25: {  	[simem:s6], [sflag:s4] =	dma.local [hbm:s3], $0xF7A  }
0x26: {  	[smem:$0x3F99] =	sst s1;
	(tag) =	ssettag s2;
	_ =	strace s9  }
0x27: {  	s1 =	sld [smem:$0x3FA9]  }
0x28: {  	s2 =	sld [smem:$0x3FAA]  }
0x29: {  	s4 =	sld [smem:$0x3FAC]  }
0x2a: {  	p0 =	seq.s32 s5, $0x0;
	s5 =	sld [smem:$0x3FAD]  }
0x2b: {  	s6 =	sld [smem:$0x3FAE]  }
0x2c: {  	s7 =	sld [smem:$0x3FAF]  }
0x2d: {  	s3 =	simm.s32 $0x108;
	s8 =	sld [smem:$0x3FB0]  }
0x2e: {  	s3 =	simm.s32 @!p0 $0x1082;
	s9 =	sld [smem:$0x3FB1]  }
0x2f: {  	lr =	sadd.s32 s0, s3;
	s0 =	sld [smem:$0x3FA8]  }
0x30: {  	s3 =	sld [smem:$0x3FAB]  }
0x31: {  	[smem:$0x3FB4] =	sst s10  }
0x32: {  	s10 =	sld [smem:$0x3FB2];
	_ =	sdelay $0x3  }
0x33: {  	p0 =	seq.s32 s10, $0x1;
	s10 =	sld [smem:$0x3FB4];
	_ =	sdelay $0x3  }
0x34: {  	[smem:$0x3FB4] =	sst s10  }
0x35: {  	s10 =	sld [smem:$0x3FB3];
	_ =	sdelay $0x3  }
0x36: {  	p1 =	seq.s32 s10, $0x1;
	s10 =	sld [smem:$0x3FB4];
	_ =	sdelay $0x3  }
0x37: {  	[smem:$0x3FB4] =	sst s10  }
0x38: {  	s10 =	sld [smem:$0x3FB5]  }
0x39: {  	_ = 	snop;
	(pc) =	sbr.ind lr, $3  }
0x3a: {  	_ = 	snop  }
0x3b: {  	_ = 	snop  }
0x3c: {  	p2 =	seq.s32 s10, $0x1;
	s10 =	sld [smem:$0x3FB4]  }
0x3d: {  	_ =	shalt  }
0x3e: {  	_ =	shalt  }
0x3f: {  	_ =	shalt  }
0x40: {  	_ =	shalt  }
0x41: {  	_ =	shalt  }
0x42: {  	_ =	shalt  }
0x43: {  	_ =	shalt  }
0x44: {  	_ =	shalt  }
0x45: {  	_ =	shalt  }
0x46: {  	_ =	shalt  }
0x47: {  	_ =	shalt  }
0x48: {  	_ =	shalt  }
0x49: {  	_ =	shalt  }
0x4a: {  	_ =	shalt  }
0x4b: {  	_ =	shalt  }
0x4c: {  	_ =	shalt  }
0x4d: {  	_ =	shalt  }
0x4e: {  	_ =	shalt  }
0x4f: {  	_ =	shalt  }
0x50: {  	_ =	shalt  }
0x51: {  	_ =	shalt  }
0x52: {  	_ =	shalt  }
0x53: {  	_ =	shalt  }
0x54: {  	_ =	shalt  }
0x55: {  	_ =	shalt  }
0x56: {  	_ =	shalt  }
0x57: {  	_ =	shalt  }
0x58: {  	_ =	shalt  }
0x59: {  	_ =	shalt  }
0x5a: {  	_ =	shalt  }
0x5b: {  	_ =	shalt  }
0x5c: {  	_ =	shalt  }
0x5d: {  	_ =	shalt  }
0x5e: {  	_ =	shalt  }
0x5f: {  	_ =	shalt  }
0x60: {  	_ =	shalt  }
0x61: {  	_ =	shalt  }
0x62: {  	_ =	shalt  }
0x63: {  	_ =	shalt  }
0x64: {  	_ =	shalt  }
0x65: {  	_ =	shalt  }
0x66: {  	_ =	shalt  }
0x67: {  	_ =	shalt  }
0x68: {  	_ =	shalt  }
0x69: {  	_ =	shalt  }
0x6a: {  	_ =	shalt  }
0x6b: {  	_ =	shalt  }
0x6c: {  	_ =	shalt  }
0x6d: {  	_ =	shalt  }
0x6e: {  	_ =	shalt  }
0x6f: {  	_ =	shalt  }
0x70: {  	_ =	shalt  }
0x71: {  	_ =	shalt  }
0x72: {  	_ =	shalt  }
0x73: {  	_ =	shalt  }
0x74: {  	_ =	shalt  }
0x75: {  	_ =	shalt  }
0x76: {  	_ =	shalt  }
0x77: {  	_ =	shalt  }
0x78: {  	_ =	shalt  }
0x79: {  	_ =	shalt  }
0x7a: {  	_ =	shalt  }
0x7b: {  	_ =	shalt  }
0x7c: {  	_ =	shalt  }
0x7d: {  	_ =	shalt  }
0x7e: {  	_ =	shalt  }
0x7f: {  	_ =	shalt  }
0x80: {  	_ =	shalt  }
0x81: {  	_ =	shalt  }
0x82: {  	_ =	shalt  }
0x83: {  	_ =	shalt  }
0x84: {  	_ =	shalt  }
0x85: {  	_ =	shalt  }
0x86: {  	_ =	shalt  }
0x87: {  	_ =	shalt  }
.Lfunc_end0:
.L_simem_size_0:
called_computation_lowered:
.L_overlay_start_0:
0x88: {  	s2 =	sld [smem:$0x3FD9]  }
0x89: {  	s3 =	sld [smem:$0x3FFE];
	_ =	sdelay $0x1  }
0x8a: {  	s1 =	srdreg.scid  }
0x8b: {  	s0 =	sand.u32 $0x1, s1  }
0x8c: {  	s16 =	sshll.u32 s0, $0xA;
	s2 =	sadd.s32 s3, s2  }
0x8d: {  	s2 =	sadd.s32 s2, s16  }
0x8e: {  	[smem:$0x3FC0] =	sst s2  }
0x8f: {  	_ = 	snop  }
0x90: {  	(tm) =	ssettm $0x1  }
0x91: {  	s17 =	sld [smem:$0x3FFB];
	_ =	sdelay $0x3  }
0x92: {  	_ =	strace s17  }
0x93: {  	s2 =	sld [smem:$0x3FFC];
	_ =	sdelay $0x3  }
0x94: {  	_ =	strace s2  }
0x95: {  	s2 =	sld [smem:$0x3FFD];
	_ =	sdelay $0x3  }
0x96: {  	_ =	strace s2  }
0x97: {  	_ =	strace $0x8FFFFFFF  }
0x98: {  	s18 =	sld [smem:$0x3FDB];
	_ =	sdelay $0x1  }
0x99: {  	s19 =	simm.s32 $_scs_section_size  }
0x9a: {  	s4 =	simm.s32 $_size__tile_overlayer_lowered;
	s5 =	simm.s32 $_tile_overlayer_lowered  }
0x9b: {  	s22 =	simm.s32 $0x1BFF;
	s21 =	sshll.u32 s5, $0x1;
	s2 =	sadd.s32 s19, s18  }
0x9c: {  	s6 =	simm.s32 $0x0;
	s20 =	sshll.u32 s4, $0x1;
	s4 =	sadd.s32 s21, s2  }
0x9d: {  	[timem:s6], [sflag:s22] =	dma.local [hbm:s4], s20  }
0x9e: {  	_ =	swait.ge [sflag:s22], s20  }
0x9f: {  	s3 =	ssub.s32 $0x0, s20;
	[sflag:s22] =	ssyncset.done $0x0  }
0xa0: {  	[sflag:s22] =	ssyncadd.s32 s3;
	_ =	sdelay $0x1  }
0xa1: {  	s23 =	simm.s32 $0x1B8B  }
0xa2: {  	_ =	swait.ge [sflag:s23], $0x1  }
0xa3: {  	[sflag:s23] =	ssyncset.done $0x0  }
0xa4: {  	s25 =	simm.s32 $0x1B8E;
	s24 =	sld [smem:$0x3FFE];
	[sflag:s23] =	ssyncadd.s32 $0xFFFFFFFF  }
0xa5: {  	s26 =	simm.s32 $execute0_lowered;
	[smem:$0x3FD2] =	sst s25  }
0xa6: {  	s4 =	sshll.u32 s26, $0x1;
	_ =	strace $0x80000046;
	[dreg:$0x1] =	wrdreg $0xFFFFFFFF  }
0xa7: {  	s28 =	simm.s32 $_size_execute0_lowered;
	s2 =	sadd.s32 s2, s4;
	[dreg:$0x0] =	wrdreg $0x0  }
0xa8: {  	s4 =	sshll.u32 s28, $0x1;
	[dreg:$0x2] =	wrdreg s2  }
0xa9: {  	[dreg:$0x3] =	wrdreg s4  }
0xaa: {  	[dreg:$0x4] =	wrdreg $0xC0  }
0xab: {  	_ =	task [dreg:s6], $0x5FFFF  }
0xac: {  	[dreg:$0x1] =	wrdreg $0xFFFFFFFF  }
0xad: {  	[dreg:$0x0] =	wrdreg $0x60  }
0xae: {  	[dreg:$0x2] =	wrdreg s24  }
0xaf: {  	[dreg:$0x3] =	wrdreg $0x9  }
0xb0: {  	_ =	task.clear_ibuf [dreg:s6], $0x4FFFF;
	_ =	strace $0x90000046  }
0xb1: {  	s29 =	simm.s32 $0x9;
	_ =	strace $0x80000048  }
0xb2: {  	_ =	swait.ge [sflag:s29], $0x1  }
0xb3: {  	[sflag:s29] =	ssyncadd.s32 $0xFFFFFFFF  }
0xb4: {  	_ =	strace $0x90000048  }
0xb5: {  	_ =	sfence  }
0xb6: {  	s30 =	sld [smem:$0x0];
	_ =	sdelay $0x2  }
0xb7: {  	s31 =	sshll.u32 s1, $0xD;
	s1 =	sshrl.u32 s1, $0x2  }
0xb8: {  	s3 =	sand.u32 $0x4000, s31;
	s1 =	sadd.s32 s1, s30  }
0xb9: {  	s0 =	sor.u32 s3, s0;
	s1 =	sshll.u32 s1, $0x11  }
0xba: {  	s0 =	sor.u32 s1, s0  }
0xbb: {  	s0 =	sadd.s32 $0x8F2B, s0  }
0xbc: {  	[sflag:s0] =	ssyncadd.remote.s32 $0x1  }
0xbd: {  	_ =	sfence.sel $0xFFFF  }
0xbe: {  	[dreg:$0x0] =	wrdreg $0xFFFFFFFF;
	(pc) =	sbr.abs _section_cstart, $3  }
0xbf: {  	[dreg:$0x1] =	wrdreg $0xFFFFFFFF  }
0xc0: {  	_ =	task.clear_ibuf [dreg:s6], $0x2FFFF;
	_ =	strace $0x9FFFFFFF  }
0xc1: {  	(tm) =	ssettm $0x7FFFFFFF  }
tec
execute0_lowered:
.L_overlay_start_1:
0x0: {  	(tag) =	ssettag $0x1  }
0x1: {  	s0 =	srdreg.scid  }
0x2: {  	s5 =	rddreg [dreg:$0x0];
	s3 =	sand.u32 $0x1, s0  }
0x3: {  	s2 =	simm.s32 $0x0;
	s0 =	stileid.u32;
	s1 =	sshll.u32 s3, $0x4  }
0x4: {  	s8 =	simm.s32 $0x80;
	s9 =	simm.s32 $0x400;
	s4 =	sor.u32 s0, s1  }
0x5: {  	s10 =	simm.s32 $0x0;
	[smem:$0x7FF] =	sst s2;
	s1 =	sshrl.u32 s4, $0x3  }
0x6: {  	s7 =	sshll.u32 s0, $0x7;
	s3 =	ssub.s32 $0x2, s3;
	s6 =	smul.u32 $0x14000, s1  }
0x7: {  	s7 =	sand.u32 $0x380, s7;
	s31 =	sshrl.u32 s3, $0x1;
	s4 =	smul.u32 $0x500, s4  }
0x8: {  	s1 =	rddreg [dreg:$0x1];
	_ =	strace $0x80000047;
	s6 =	sor.u32 s7, s6  }
0x9: {  	s4 =	sadd.s32 s4, s5;
	s7 =	simm.s32 $0x2800;
	s6 =	sshrl.u32 s6, $0x3  }
0xa: {  	s5 =	sadd.s32 s6, s5;
	s6 =	ssub.s32 s3, s31;
	s3 =	sadd.s32 $0x2200, s4  }
0xb: {  	v0 =	vimm.f32 $0.0e+00;
	v1 =	vimm.f32 $1.000000000e+00;
	s4 =	sadd.s32 $0x16200, s5;
	s5 =	smax.u32 s6, $0x1;
	s6 =	simm.s32 $0x1  }
.LBB2_1:
0xc: {  	[tilespmem:s2], [sflag:$0x1] =	stream.linear.gather [hbm4b:s3+s2], $0x2800, $0x38;
	[tilespmem:$0x5000] =	vst v63  }
0xd: {  	_ =	swait.ge [sflag:s6], $0x2800  }
0xe: {  	[sflag:s6] =	ssyncset.done $0x0  }
0xf: {  	s11 =	simm.s32 $0x0;
	[sflag:s6] =	ssyncadd.s32 $0xFFFFD800  }
.LBB2_2:
0x10: {  	p0 =	sne.s32 s11, $0x9FC0  }
.Ltmp0:
0x11: {  	_ = 	snop;
	(pc) =	sbr.rel @p0 .LBB2_2-.Ltmp0, $3  }
0x12: {  	_ =	sdelay $0x1  }
0x13: {  	s12 =	sshra.s32 s11, $0x2  }
0x14: {  	s11 =	sadd.s32 $0x40, s11;
	[tilespmem:s12+$0x2800] =	vst v0  }
0x15: {  	s11 =	simm.s32 $0x0  }
.LBB2_4:
0x16: {  	s12 =	sshra.s32 s11, $0x2  }
0x17: {  	v2 =	vld [tilespmem:s12+$0x0];
	_ =	sdelay $0x7  }
0x18: {  	[tilespmem:v2+s7+$0x0] =	vst.idx.add.f32.msk $0xffff, v1  }
0x19: {  	v2 =	vld [tilespmem:s12+$0x10];
	_ =	sdelay $0x7  }
0x1a: {  	[tilespmem:v2+s7+$0x0] =	vst.idx.add.f32.msk $0xffff, v1  }
0x1b: {  	v2 =	vld [tilespmem:s12+$0x20];
	_ =	sdelay $0x7  }
0x1c: {  	[tilespmem:v2+s7+$0x0] =	vst.idx.add.f32.msk $0xffff, v1  }
0x1d: {  	v2 =	vld [tilespmem:s12+$0x30];
	_ =	sdelay $0x7  }
0x1e: {  	[tilespmem:v2+s7+$0x0] =	vst.idx.add.f32.msk $0xffff, v1  }
0x1f: {  	v2 =	vld [tilespmem:s12+$0x40];
	_ =	sdelay $0x7  }
0x20: {  	[tilespmem:v2+s7+$0x0] =	vst.idx.add.f32.msk $0xffff, v1  }
0x21: {  	v2 =	vld [tilespmem:s12+$0x50];
	_ =	sdelay $0x7  }
0x22: {  	[tilespmem:v2+s7+$0x0] =	vst.idx.add.f32.msk $0xffff, v1  }
0x23: {  	v2 =	vld [tilespmem:s12+$0x60];
	_ =	sdelay $0x7  }
0x24: {  	[tilespmem:v2+s7+$0x0] =	vst.idx.add.f32.msk $0xffff, v1  }
0x25: {  	v2 =	vld [tilespmem:s12+$0x70];
	_ =	sdelay $0x2  }
0x26: {  	p0 =	sne.s32 s11, $0x9E00  }
.Ltmp1:
0x27: {  	_ = 	snop;
	(pc) =	sbr.rel @p0 .LBB2_4-.Ltmp1, $2  }
0x28: {  	_ =	sdelay $0x2  }
0x29: {  	s11 =	sadd.s32 $0x200, s11;
	[tilespmem:v2+s7+$0x0] =	vst.idx.add.f32.msk $0xffff, v1  }
0x2a: {  	s10 =	sadd.s32 $0x1, s10  }
0x2b: {  	p0 =	sne.s32 s10, s5  }
.Ltmp2:
0x2c: {  	_ = 	snop;
	(pc) =	sbr.rel @p0 .LBB2_1-.Ltmp2, $4  }
0x2d: {  	[hbm4b:s4+s8] =	stream.strided.scatter [tilespmem:s7], [sflag:$0x1], $0x2800, s9, s8, $0x38;
	[tilespmem:$0x5000] =	vst v63  }
0x2e: {  	_ =	swait.ge [sflag:s6], $0x2800  }
0x2f: {  	[sflag:s6] =	ssyncset.done $0x0  }
0x30: {  	[sflag:s6] =	ssyncadd.s32 $0xFFFFD800  }
0x31: {  	_ =	sfence.sel $0x180000  }
0x32: {  	[bflag:$0x0] =	sbarrier.arrive $0xFFFF  }
0x33: {  	p0 =	sne.s32 s0, $0x0;
	_ =	strace $0x90000047  }
0x34: {  	s0 =	sadd.s32 @!p0 $0x100000, s1;
	[bflag:$0x2] =	sbarrier.arrive $0xFFFF  }
0x35: {  	[sflag:s0] =	ssyncadd.tile.s32 @!p0 $0x1;
	_ =	shalt  }
.Lfunc_end2:
_tile_overlayer_lowered:
.L_overlay_start_2:
0x36: {  	(tag) =	ssettag $0x2  }
0x37: {  	s0 =	rddreg [dreg:$0x0];
	s2 =	stileid.u32  }
0x38: {  	s1 =	rddreg [dreg:$0x1];
	p0 =	sne.s32 s2, $0x0  }
0x39: {  	s3 =	rddreg [dreg:$0x2];
	[bflag:$0x3] =	sbarrier.arrive $0xFFFF;
	s2 =	simm.s32 @!p0 $0x1C01  }
0x3a: {  	[timem:s3], [sflag:s2] =	dma.local @!p0 [hbm:s0], s1  }
0x3b: {  	s0 =	simm.s32 @!p0 $0x1  }
0x3c: {  	_ =	swait.ge @!p0 [sflag:s0], s1  }
0x3d: {  	s1 =	ssub.s32 @!p0 $0x0, s1;
	[sflag:s0] =	ssyncset.done @!p0 $0x0  }
0x3e: {  	[sflag:s0] =	ssyncadd.s32 @!p0 s1  }
0x3f: {  	[bflag:$0x3] =	sbarrier.arrive $0xFFFF  }
0x40: {  	_ =	shalt  }

</sc_bundles>
